<compile_context>
chip_gen: v7x
topology: tpu7x:2x2x1
jax: 0.10.2.dev20260603
libtpu: 0.0.44.dev20260713+nightly
codegen_flags: <defaults>
</compile_context>

<pallas_src>
import functools

import jax
import jax.numpy as jnp
from jax import lax
from jax.experimental import pallas as pl
from jax.experimental.pallas import tpu as pltpu
from jax.experimental.pallas import tpu_sc as plsc

_D = 64
_BATCH = 16384
_HIST = 50
_N = _BATCH * _HIST
_NC = 2
_NS = 16
_NW = _NC * _NS
_IPW = _N // _NW
_CHUNK = 128
_N_CHUNKS = _IPW // _CHUNK
_NBUF = 8
_GD = 6

_mesh = plsc.VectorSubcoreMesh(core_axis_name="c", subcore_axis_name="s")


@functools.partial(
    pl.kernel,
    out_type=jax.ShapeDtypeStruct((_N, _D), jnp.float32),
    mesh=_mesh,
    scratch_types=[
        pltpu.VMEM((_IPW,), jnp.int32),
        pltpu.VMEM((_NBUF, _CHUNK, _D), jnp.float32),
        pltpu.SemaphoreType.DMA,
        pltpu.SemaphoreType.DMA((_NBUF,)),
        pltpu.SemaphoreType.DMA((_NBUF,)),
    ],
    compiler_params=pltpu.CompilerParams(use_tc_tiling_on_sc=False),
)
def _embed_gather(idx_hbm, table_hbm, out_hbm, idx_v, rows_v,
                  idx_sem, gat_sem, out_sem):
    wid = lax.axis_index("s") * _NC + lax.axis_index("c")
    base = wid * _IPW

    pltpu.async_copy(idx_hbm.at[pl.ds(base, _IPW)], idx_v, idx_sem)
    pltpu.make_async_copy(idx_hbm.at[pl.ds(base, _IPW)], idx_v,
                          idx_sem).wait()

    def fire_gather(i, b):
        pltpu.async_copy(table_hbm.at[idx_v.at[pl.ds(i * _CHUNK, _CHUNK)]],
                         rows_v.at[b], gat_sem.at[b])

    def wait_gather(b):
        pltpu.make_async_copy(table_hbm.at[idx_v.at[pl.ds(0, _CHUNK)]],
                              rows_v.at[b], gat_sem.at[b]).wait()

    def fire_out(i, b):
        pltpu.async_copy(rows_v.at[b],
                         out_hbm.at[pl.ds(base + i * _CHUNK, _CHUNK)],
                         out_sem.at[b])

    def wait_out(b):
        pltpu.make_async_copy(rows_v.at[b],
                              out_hbm.at[pl.ds(base, _CHUNK)],
                              out_sem.at[b]).wait()

    for i in range(_GD):
        fire_gather(i, i)

    @pl.loop(_GD, _N_CHUNKS)
    def _steady(i):
        b = lax.rem(i, _NBUF)

        @pl.when(i >= _NBUF)
        def _():
            wait_out(b)

        fire_gather(i, b)

        j = i - _GD
        bj = lax.rem(j, _NBUF)
        wait_gather(bj)
        fire_out(j, bj)

    for k in range(_GD):
        j = _N_CHUNKS - _GD + k
        wait_gather(j % _NBUF)
        fire_out(j, j % _NBUF)
    for b in range(min(_NBUF, _N_CHUNKS)):
        wait_out(b)


def kernel(token_ids, embedding_mat):
    flat_idx = token_ids.astype(jnp.int32).reshape(_N)
    out = _embed_gather(flat_idx, embedding_mat)
    return out.reshape(_BATCH, _HIST, _D)

# --- scband reference (transcript-rebuilt; emitter-appended) ---
"""Pipeline reference for scband-embedding-14637248544821 (READ-ONLY COPY).

The authoritative reference and input builder live on the scoring server;
editing this copy changes nothing except your own understanding.
"""

import jax, jax.numpy as jnp
import numpy as np

NUM_EMBEDDINGS = 1000000
EMBEDDING_DIM = 64
BATCH = 16384
HIST_LEN = 50


def setup_inputs(seed: int = 0) -> dict:
    key = jax.random.key(seed)
    k_idx, k_tab = jax.random.split(key)
    token_ids = jax.random.randint(k_idx, (BATCH, HIST_LEN), 0, NUM_EMBEDDINGS, dtype=jnp.int64 if jax.config.jax_enable_x64 else jnp.int32)
    # trunc_normal_(mean=0, std=1, a=-3, b=3)
    embedding_mat = jax.random.truncated_normal(k_tab, -3.0, 3.0, (NUM_EMBEDDINGS, EMBEDDING_DIM), dtype=jnp.float32)
    return {"token_ids": token_ids, "embedding_mat": embedding_mat}


def reference(token_ids, embedding_mat):
    # Faithful translation of: self.embedding_mat[token_ids]
    return jnp.take(embedding_mat, token_ids, axis=0)

if __name__ == "__main__":
    import jax
    _d = setup_inputs()
    print(jax.jit(kernel)(*tuple(_d.values())))

</pallas_src>

<mosaic_0001>
#map = affine_map<(d0, d1) -> (0)>
#map1 = affine_map<(d0, d1) -> (0, 0)>
module attributes {stable_mosaic.version = 14 : i64} {
  func.func @_embed_gather(%arg0: i32, %arg1: i32, %arg2: memref<819200xi32, #tpu.memory_space<hbm>>, %arg3: memref<1000000x64xf32, #tpu.memory_space<hbm>>, %arg4: memref<819200x64xf32, #tpu.memory_space<hbm>>, %arg5: memref<25600xi32, #tpu.memory_space<vmem>>, %arg6: memref<8x128x64xf32, #tpu.memory_space<vmem>>, %arg7: memref<!tpu.dma_semaphore, #tpu.memory_space<semaphore_mem>>, %arg8: memref<8x!tpu.dma_semaphore, #tpu.memory_space<semaphore_mem>>, %arg9: memref<8x!tpu.dma_semaphore, #tpu.memory_space<semaphore_mem>>) attributes {dimension_semantics = [#tpu.dimension_semantics<core_parallel>, #tpu.dimension_semantics<subcore_parallel>], iteration_bounds = array<i64: 2, 16>, scalar_prefetch = 0 : i64, scratch_operands = 5 : i64, tpu.core_type = #tpu.core_type<sc_vector_subcore>, window_params = [{transform_indices = #map}, {transform_indices = #map1}, {transform_indices = #map1}]} {
    %mul3A = arith.constant 2 : i32
    %mul3A_0 = arith.muli %arg1, %mul3A : i32
    %add3A = arith.addi %mul3A_0, %arg0 : i32
    %mul3A_1 = arith.constant 25600 : i32
    %mul3A_2 = arith.muli %add3A, %mul3A_1 : i32
    %dma_start3A = tpu.memref_slice %arg2[%mul3A_2] : memref<819200xi32, #tpu.memory_space<hbm>> -> memref<25600xi32, #tpu.memory_space<hbm>>
    %dma_start3A_3 = tpu.memref_slice %arg2[%mul3A_2] : memref<819200xi32, #tpu.memory_space<hbm>> -> memref<25600xi32, #tpu.memory_space<hbm>>
    tpu.enqueue_dma source(%dma_start3A_3 : memref<25600xi32, #tpu.memory_space<hbm>>) target(%arg5 : memref<25600xi32, #tpu.memory_space<vmem>>) target_semaphore(%arg7 : memref<!tpu.dma_semaphore, #tpu.memory_space<semaphore_mem>>)
    %dma_wait3A = tpu.memref_slice %arg2[%mul3A_2] : memref<819200xi32, #tpu.memory_space<hbm>> -> memref<25600xi32, #tpu.memory_space<hbm>>
    %dma_wait3A_4 = tpu.memref_slice %arg2[%mul3A_2] : memref<819200xi32, #tpu.memory_space<hbm>> -> memref<25600xi32, #tpu.memory_space<hbm>>
    tpu.wait_dma2 semaphore(%arg7 : memref<!tpu.dma_semaphore, #tpu.memory_space<semaphore_mem>>) src(%dma_wait3A_4 : memref<25600xi32, #tpu.memory_space<hbm>>) dst(%arg5 : memref<25600xi32, #tpu.memory_space<vmem>>)
    %dma_start3A_5 = arith.constant 0 : i32
    %dma_start3A_6 = arith.constant 0 : i32
    %dma_start3A_7 = arith.constant 0 : i32
    %dma_start3A_8 = arith.constant 0 : i32
    %dma_start3A_9 = tpu.memref_slice %arg6[%dma_start3A_5, %dma_start3A_7, %dma_start3A_8] : memref<8x128x64xf32, #tpu.memory_space<vmem>> -> memref<1x128x64xf32, #tpu.memory_space<vmem>>
    %dma_start3A_10 = tpu.memref_squeeze %dma_start3A_9 : memref<1x128x64xf32, #tpu.memory_space<vmem>> -> memref<128x64xf32, #tpu.memory_space<vmem>>
    %dma_start3A_11 = arith.constant 0 : i32
    %dma_start3A_12 = tpu.memref_slice %arg5[%dma_start3A_11] : memref<25600xi32, #tpu.memory_space<vmem>> -> memref<128xi32, #tpu.memory_space<vmem>>
    %dma_start3A_13 = arith.constant 0 : i32
    %dma_start3A_14 = arith.constant 0 : i32
    %dma_start3A_15 = tpu.memref_slice %arg3[%dma_start3A_13, %dma_start3A_14] : memref<1000000x64xf32, #tpu.memory_space<hbm>> -> memref<1000000x64xf32, #tpu.memory_space<hbm>>
    %dma_start3A_16 = tpu.memref_slice %arg8[%dma_start3A_6] : memref<8x!tpu.dma_semaphore, #tpu.memory_space<semaphore_mem>> -> memref<1x!tpu.dma_semaphore, #tpu.memory_space<semaphore_mem>>
    %dma_start3A_17 = tpu.memref_squeeze %dma_start3A_16 : memref<1x!tpu.dma_semaphore, #tpu.memory_space<semaphore_mem>> -> memref<!tpu.dma_semaphore, #tpu.memory_space<semaphore_mem>>
    tpu.enqueue_indirect_dma source(%dma_start3A_15 : memref<1000000x64xf32, #tpu.memory_space<hbm>>) target(%dma_start3A_10 : memref<128x64xf32, #tpu.memory_space<vmem>>) offsets(%dma_start3A_12 : memref<128xi32, #tpu.memory_space<vmem>>) semaphore(%dma_start3A_17 : memref<!tpu.dma_semaphore, #tpu.memory_space<semaphore_mem>>)
    %dma_start3A_18 = arith.constant 1 : i32
    %dma_start3A_19 = arith.constant 1 : i32
    %dma_start3A_20 = arith.constant 0 : i32
    %dma_start3A_21 = arith.constant 0 : i32
    %dma_start3A_22 = tpu.memref_slice %arg6[%dma_start3A_18, %dma_start3A_20, %dma_start3A_21] : memref<8x128x64xf32, #tpu.memory_space<vmem>> -> memref<1x128x64xf32, #tpu.memory_space<vmem>>
    %dma_start3A_23 = tpu.memref_squeeze %dma_start3A_22 : memref<1x128x64xf32, #tpu.memory_space<vmem>> -> memref<128x64xf32, #tpu.memory_space<vmem>>
    %dma_start3A_24 = arith.constant 128 : i32
    %dma_start3A_25 = tpu.memref_slice %arg5[%dma_start3A_24] : memref<25600xi32, #tpu.memory_space<vmem>> -> memref<128xi32, #tpu.memory_space<vmem>>
    %dma_start3A_26 = arith.constant 0 : i32
    %dma_start3A_27 = arith.constant 0 : i32
    %dma_start3A_28 = tpu.memref_slice %arg3[%dma_start3A_26, %dma_start3A_27] : memref<1000000x64xf32, #tpu.memory_space<hbm>> -> memref<1000000x64xf32, #tpu.memory_space<hbm>>
    %dma_start3A_29 = tpu.memref_slice %arg8[%dma_start3A_19] : memref<8x!tpu.dma_semaphore, #tpu.memory_space<semaphore_mem>> -> memref<1x!tpu.dma_semaphore, #tpu.memory_space<semaphore_mem>>
    %dma_start3A_30 = tpu.memref_squeeze %dma_start3A_29 : memref<1x!tpu.dma_semaphore, #tpu.memory_space<semaphore_mem>> -> memref<!tpu.dma_semaphore, #tpu.memory_space<semaphore_mem>>
    tpu.enqueue_indirect_dma source(%dma_start3A_28 : memref<1000000x64xf32, #tpu.memory_space<hbm>>) target(%dma_start3A_23 : memref<128x64xf32, #tpu.memory_space<vmem>>) offsets(%dma_start3A_25 : memref<128xi32, #tpu.memory_space<vmem>>) semaphore(%dma_start3A_30 : memref<!tpu.dma_semaphore, #tpu.memory_space<semaphore_mem>>)
    %dma_start3A_31 = arith.constant 2 : i32
    %dma_start3A_32 = arith.constant 2 : i32
    %dma_start3A_33 = arith.constant 0 : i32
    %dma_start3A_34 = arith.constant 0 : i32
    %dma_start3A_35 = tpu.memref_slice %arg6[%dma_start3A_31, %dma_start3A_33, %dma_start3A_34] : memref<8x128x64xf32, #tpu.memory_space<vmem>> -> memref<1x128x64xf32, #tpu.memory_space<vmem>>
    %dma_start3A_36 = tpu.memref_squeeze %dma_start3A_35 : memref<1x128x64xf32, #tpu.memory_space<vmem>> -> memref<128x64xf32, #tpu.memory_space<vmem>>
    %dma_start3A_37 = arith.constant 256 : i32
    %dma_start3A_38 = tpu.memref_slice %arg5[%dma_start3A_37] : memref<25600xi32, #tpu.memory_space<vmem>> -> memref<128xi32, #tpu.memory_space<vmem>>
    %dma_start3A_39 = arith.constant 0 : i32
    %dma_start3A_40 = arith.constant 0 : i32
    %dma_start3A_41 = tpu.memref_slice %arg3[%dma_start3A_39, %dma_start3A_40] : memref<1000000x64xf32, #tpu.memory_space<hbm>> -> memref<1000000x64xf32, #tpu.memory_space<hbm>>
    %dma_start3A_42 = tpu.memref_slice %arg8[%dma_start3A_32] : memref<8x!tpu.dma_semaphore, #tpu.memory_space<semaphore_mem>> -> memref<1x!tpu.dma_semaphore, #tpu.memory_space<semaphore_mem>>
    %dma_start3A_43 = tpu.memref_squeeze %dma_start3A_42 : memref<1x!tpu.dma_semaphore, #tpu.memory_space<semaphore_mem>> -> memref<!tpu.dma_semaphore, #tpu.memory_space<semaphore_mem>>
    tpu.enqueue_indirect_dma source(%dma_start3A_41 : memref<1000000x64xf32, #tpu.memory_space<hbm>>) target(%dma_start3A_36 : memref<128x64xf32, #tpu.memory_space<vmem>>) offsets(%dma_start3A_38 : memref<128xi32, #tpu.memory_space<vmem>>) semaphore(%dma_start3A_43 : memref<!tpu.dma_semaphore, #tpu.memory_space<semaphore_mem>>)
    %dma_start3A_44 = arith.constant 3 : i32
    %dma_start3A_45 = arith.constant 3 : i32
    %dma_start3A_46 = arith.constant 0 : i32
    %dma_start3A_47 = arith.constant 0 : i32
    %dma_start3A_48 = tpu.memref_slice %arg6[%dma_start3A_44, %dma_start3A_46, %dma_start3A_47] : memref<8x128x64xf32, #tpu.memory_space<vmem>> -> memref<1x128x64xf32, #tpu.memory_space<vmem>>
    %dma_start3A_49 = tpu.memref_squeeze %dma_start3A_48 : memref<1x128x64xf32, #tpu.memory_space<vmem>> -> memref<128x64xf32, #tpu.memory_space<vmem>>
    %dma_start3A_50 = arith.constant 384 : i32
    %dma_start3A_51 = tpu.memref_slice %arg5[%dma_start3A_50] : memref<25600xi32, #tpu.memory_space<vmem>> -> memref<128xi32, #tpu.memory_space<vmem>>
    %dma_start3A_52 = arith.constant 0 : i32
    %dma_start3A_53 = arith.constant 0 : i32
    %dma_start3A_54 = tpu.memref_slice %arg3[%dma_start3A_52, %dma_start3A_53] : memref<1000000x64xf32, #tpu.memory_space<hbm>> -> memref<1000000x64xf32, #tpu.memory_space<hbm>>
    %dma_start3A_55 = tpu.memref_slice %arg8[%dma_start3A_45] : memref<8x!tpu.dma_semaphore, #tpu.memory_space<semaphore_mem>> -> memref<1x!tpu.dma_semaphore, #tpu.memory_space<semaphore_mem>>
    %dma_start3A_56 = tpu.memref_squeeze %dma_start3A_55 : memref<1x!tpu.dma_semaphore, #tpu.memory_space<semaphore_mem>> -> memref<!tpu.dma_semaphore, #tpu.memory_space<semaphore_mem>>
    tpu.enqueue_indirect_dma source(%dma_start3A_54 : memref<1000000x64xf32, #tpu.memory_space<hbm>>) target(%dma_start3A_49 : memref<128x64xf32, #tpu.memory_space<vmem>>) offsets(%dma_start3A_51 : memref<128xi32, #tpu.memory_space<vmem>>) semaphore(%dma_start3A_56 : memref<!tpu.dma_semaphore, #tpu.memory_space<semaphore_mem>>)
    %dma_start3A_57 = arith.constant 4 : i32
    %dma_start3A_58 = arith.constant 4 : i32
    %dma_start3A_59 = arith.constant 0 : i32
    %dma_start3A_60 = arith.constant 0 : i32
    %dma_start3A_61 = tpu.memref_slice %arg6[%dma_start3A_57, %dma_start3A_59, %dma_start3A_60] : memref<8x128x64xf32, #tpu.memory_space<vmem>> -> memref<1x128x64xf32, #tpu.memory_space<vmem>>
    %dma_start3A_62 = tpu.memref_squeeze %dma_start3A_61 : memref<1x128x64xf32, #tpu.memory_space<vmem>> -> memref<128x64xf32, #tpu.memory_space<vmem>>
    %dma_start3A_63 = arith.constant 512 : i32
    %dma_start3A_64 = tpu.memref_slice %arg5[%dma_start3A_63] : memref<25600xi32, #tpu.memory_space<vmem>> -> memref<128xi32, #tpu.memory_space<vmem>>
    %dma_start3A_65 = arith.constant 0 : i32
    %dma_start3A_66 = arith.constant 0 : i32
    %dma_start3A_67 = tpu.memref_slice %arg3[%dma_start3A_65, %dma_start3A_66] : memref<1000000x64xf32, #tpu.memory_space<hbm>> -> memref<1000000x64xf32, #tpu.memory_space<hbm>>
    %dma_start3A_68 = tpu.memref_slice %arg8[%dma_start3A_58] : memref<8x!tpu.dma_semaphore, #tpu.memory_space<semaphore_mem>> -> memref<1x!tpu.dma_semaphore, #tpu.memory_space<semaphore_mem>>
    %dma_start3A_69 = tpu.memref_squeeze %dma_start3A_68 : memref<1x!tpu.dma_semaphore, #tpu.memory_space<semaphore_mem>> -> memref<!tpu.dma_semaphore, #tpu.memory_space<semaphore_mem>>
    tpu.enqueue_indirect_dma source(%dma_start3A_67 : memref<1000000x64xf32, #tpu.memory_space<hbm>>) target(%dma_start3A_62 : memref<128x64xf32, #tpu.memory_space<vmem>>) offsets(%dma_start3A_64 : memref<128xi32, #tpu.memory_space<vmem>>) semaphore(%dma_start3A_69 : memref<!tpu.dma_semaphore, #tpu.memory_space<semaphore_mem>>)
    %dma_start3A_70 = arith.constant 5 : i32
    %dma_start3A_71 = arith.constant 5 : i32
    %dma_start3A_72 = arith.constant 0 : i32
    %dma_start3A_73 = arith.constant 0 : i32
    %dma_start3A_74 = tpu.memref_slice %arg6[%dma_start3A_70, %dma_start3A_72, %dma_start3A_73] : memref<8x128x64xf32, #tpu.memory_space<vmem>> -> memref<1x128x64xf32, #tpu.memory_space<vmem>>
    %dma_start3A_75 = tpu.memref_squeeze %dma_start3A_74 : memref<1x128x64xf32, #tpu.memory_space<vmem>> -> memref<128x64xf32, #tpu.memory_space<vmem>>
    %dma_start3A_76 = arith.constant 640 : i32
    %dma_start3A_77 = tpu.memref_slice %arg5[%dma_start3A_76] : memref<25600xi32, #tpu.memory_space<vmem>> -> memref<128xi32, #tpu.memory_space<vmem>>
    %dma_start3A_78 = arith.constant 0 : i32
    %dma_start3A_79 = arith.constant 0 : i32
    %dma_start3A_80 = tpu.memref_slice %arg3[%dma_start3A_78, %dma_start3A_79] : memref<1000000x64xf32, #tpu.memory_space<hbm>> -> memref<1000000x64xf32, #tpu.memory_space<hbm>>
    %dma_start3A_81 = tpu.memref_slice %arg8[%dma_start3A_71] : memref<8x!tpu.dma_semaphore, #tpu.memory_space<semaphore_mem>> -> memref<1x!tpu.dma_semaphore, #tpu.memory_space<semaphore_mem>>
    %dma_start3A_82 = tpu.memref_squeeze %dma_start3A_81 : memref<1x!tpu.dma_semaphore, #tpu.memory_space<semaphore_mem>> -> memref<!tpu.dma_semaphore, #tpu.memory_space<semaphore_mem>>
    tpu.enqueue_indirect_dma source(%dma_start3A_80 : memref<1000000x64xf32, #tpu.memory_space<hbm>>) target(%dma_start3A_75 : memref<128x64xf32, #tpu.memory_space<vmem>>) offsets(%dma_start3A_77 : memref<128xi32, #tpu.memory_space<vmem>>) semaphore(%dma_start3A_82 : memref<!tpu.dma_semaphore, #tpu.memory_space<semaphore_mem>>)
    %scan3A = arith.constant 0 : i32
    %scan3A_83 = arith.constant 194 : i32
    %scan3A_84 = arith.addi %scan3A, %scan3A_83 : i32
    %scan3A_85 = arith.constant 1 : i32
    scf.for %scan3A_401 = %scan3A to %scan3A_84 step %scan3A_85  : i32 {
      %mul3A_402 = arith.constant 1 : i32
      %mul3A_403 = arith.muli %scan3A_401, %mul3A_402 : i32
      %add3A_404 = arith.constant 6 : i32
      %add3A_405 = arith.addi %add3A_404, %mul3A_403 : i32
      %rem3A = arith.constant 8 : i32
      %rem3A_406 = arith.remsi %add3A_405, %rem3A : i32
      %ge3A = arith.constant 8 : i32
      %ge3A_407 = arith.cmpi sge, %add3A_405, %ge3A : i32
      %convert_element_type3A = arith.extui %ge3A_407 : i1 to i32
      %cond3A = arith.constant 0 : i32
      %cond3A_408 = arith.cmpi ne, %convert_element_type3A, %cond3A : i32
      scf.if %cond3A_408 {
        %dma_wait3A_452 = arith.constant 0 : i32
        %dma_wait3A_453 = arith.constant 0 : i32
        %dma_wait3A_454 = tpu.memref_slice %arg6[%rem3A_406, %dma_wait3A_452, %dma_wait3A_453] : memref<8x128x64xf32, #tpu.memory_space<vmem>> -> memref<1x128x64xf32, #tpu.memory_space<vmem>>
        %dma_wait3A_455 = tpu.memref_squeeze %dma_wait3A_454 : memref<1x128x64xf32, #tpu.memory_space<vmem>> -> memref<128x64xf32, #tpu.memory_space<vmem>>
        %dma_wait3A_456 = arith.constant 0 : i32
        %dma_wait3A_457 = tpu.memref_slice %arg4[%mul3A_2, %dma_wait3A_456] : memref<819200x64xf32, #tpu.memory_space<hbm>> -> memref<128x64xf32, #tpu.memory_space<hbm>>
        %dma_wait3A_458 = tpu.memref_slice %arg9[%rem3A_406] : memref<8x!tpu.dma_semaphore, #tpu.memory_space<semaphore_mem>> -> memref<1x!tpu.dma_semaphore, #tpu.memory_space<semaphore_mem>>
        %dma_wait3A_459 = tpu.memref_squeeze %dma_wait3A_458 : memref<1x!tpu.dma_semaphore, #tpu.memory_space<semaphore_mem>> -> memref<!tpu.dma_semaphore, #tpu.memory_space<semaphore_mem>>
        %dma_wait3A_460 = arith.constant 0 : i32
        %dma_wait3A_461 = tpu.memref_slice %arg4[%mul3A_2, %dma_wait3A_460] : memref<819200x64xf32, #tpu.memory_space<hbm>> -> memref<128x64xf32, #tpu.memory_space<hbm>>
        %dma_wait3A_462 = arith.constant 0 : i32
        %dma_wait3A_463 = arith.constant 0 : i32
        %dma_wait3A_464 = tpu.memref_slice %arg6[%rem3A_406, %dma_wait3A_462, %dma_wait3A_463] : memref<8x128x64xf32, #tpu.memory_space<vmem>> -> memref<1x128x64xf32, #tpu.memory_space<vmem>>
        %dma_wait3A_465 = tpu.memref_squeeze %dma_wait3A_464 : memref<1x128x64xf32, #tpu.memory_space<vmem>> -> memref<128x64xf32, #tpu.memory_space<vmem>>
        tpu.wait_dma2 semaphore(%dma_wait3A_459 : memref<!tpu.dma_semaphore, #tpu.memory_space<semaphore_mem>>) src(%dma_wait3A_465 : memref<128x64xf32, #tpu.memory_space<vmem>>) dst(%dma_wait3A_461 : memref<128x64xf32, #tpu.memory_space<hbm>>)
      } else {
      }
      %mul3A_409 = arith.constant 128 : i32
      %mul3A_410 = arith.muli %add3A_405, %mul3A_409 : i32
      %dma_start3A_411 = arith.constant 0 : i32
      %dma_start3A_412 = arith.constant 0 : i32
      %dma_start3A_413 = tpu.memref_slice %arg6[%rem3A_406, %dma_start3A_411, %dma_start3A_412] : memref<8x128x64xf32, #tpu.memory_space<vmem>> -> memref<1x128x64xf32, #tpu.memory_space<vmem>>
      %dma_start3A_414 = tpu.memref_squeeze %dma_start3A_413 : memref<1x128x64xf32, #tpu.memory_space<vmem>> -> memref<128x64xf32, #tpu.memory_space<vmem>>
      %dma_start3A_415 = tpu.memref_slice %arg5[%mul3A_410] : memref<25600xi32, #tpu.memory_space<vmem>> -> memref<128xi32, #tpu.memory_space<vmem>>
      %dma_start3A_416 = arith.constant 0 : i32
      %dma_start3A_417 = arith.constant 0 : i32
      %dma_start3A_418 = tpu.memref_slice %arg3[%dma_start3A_416, %dma_start3A_417] : memref<1000000x64xf32, #tpu.memory_space<hbm>> -> memref<1000000x64xf32, #tpu.memory_space<hbm>>
      %dma_start3A_419 = tpu.memref_slice %arg8[%rem3A_406] : memref<8x!tpu.dma_semaphore, #tpu.memory_space<semaphore_mem>> -> memref<1x!tpu.dma_semaphore, #tpu.memory_space<semaphore_mem>>
      %dma_start3A_420 = tpu.memref_squeeze %dma_start3A_419 : memref<1x!tpu.dma_semaphore, #tpu.memory_space<semaphore_mem>> -> memref<!tpu.dma_semaphore, #tpu.memory_space<semaphore_mem>>
      tpu.enqueue_indirect_dma source(%dma_start3A_418 : memref<1000000x64xf32, #tpu.memory_space<hbm>>) target(%dma_start3A_414 : memref<128x64xf32, #tpu.memory_space<vmem>>) offsets(%dma_start3A_415 : memref<128xi32, #tpu.memory_space<vmem>>) semaphore(%dma_start3A_420 : memref<!tpu.dma_semaphore, #tpu.memory_space<semaphore_mem>>)
      %sub3A = arith.constant 6 : i32
      %sub3A_421 = arith.subi %add3A_405, %sub3A : i32
      %rem3A_422 = arith.constant 8 : i32
      %rem3A_423 = arith.remsi %sub3A_421, %rem3A_422 : i32
      %dma_wait3A_424 = arith.constant 0 : i32
      %dma_wait3A_425 = arith.constant 0 : i32
      %dma_wait3A_426 = tpu.memref_slice %arg6[%rem3A_423, %dma_wait3A_424, %dma_wait3A_425] : memref<8x128x64xf32, #tpu.memory_space<vmem>> -> memref<1x128x64xf32, #tpu.memory_space<vmem>>
      %dma_wait3A_427 = tpu.memref_squeeze %dma_wait3A_426 : memref<1x128x64xf32, #tpu.memory_space<vmem>> -> memref<128x64xf32, #tpu.memory_space<vmem>>
      %dma_wait3A_428 = arith.constant 0 : i32
      %dma_wait3A_429 = tpu.memref_slice %arg5[%dma_wait3A_428] : memref<25600xi32, #tpu.memory_space<vmem>> -> memref<128xi32, #tpu.memory_space<vmem>>
      %dma_wait3A_430 = arith.constant 0 : i32
      %dma_wait3A_431 = arith.constant 0 : i32
      %dma_wait3A_432 = tpu.memref_slice %arg3[%dma_wait3A_430, %dma_wait3A_431] : memref<1000000x64xf32, #tpu.memory_space<hbm>> -> memref<1000000x64xf32, #tpu.memory_space<hbm>>
      %dma_wait3A_433 = tpu.memref_slice %arg8[%rem3A_423] : memref<8x!tpu.dma_semaphore, #tpu.memory_space<semaphore_mem>> -> memref<1x!tpu.dma_semaphore, #tpu.memory_space<semaphore_mem>>
      %dma_wait3A_434 = tpu.memref_squeeze %dma_wait3A_433 : memref<1x!tpu.dma_semaphore, #tpu.memory_space<semaphore_mem>> -> memref<!tpu.dma_semaphore, #tpu.memory_space<semaphore_mem>>
      tpu.wait_indirect_dma semaphore(%dma_wait3A_434 : memref<!tpu.dma_semaphore, #tpu.memory_space<semaphore_mem>>) src(%dma_wait3A_432 : memref<1000000x64xf32, #tpu.memory_space<hbm>>) dst(%dma_wait3A_427 : memref<128x64xf32, #tpu.memory_space<vmem>>)
      %mul3A_435 = arith.constant 128 : i32
      %mul3A_436 = arith.muli %sub3A_421, %mul3A_435 : i32
      %add3A_437 = arith.addi %mul3A_2, %mul3A_436 : i32
      %dma_start3A_438 = arith.constant 0 : i32
      %dma_start3A_439 = arith.constant 0 : i32
      %dma_start3A_440 = tpu.memref_slice %arg6[%rem3A_423, %dma_start3A_438, %dma_start3A_439] : memref<8x128x64xf32, #tpu.memory_space<vmem>> -> memref<1x128x64xf32, #tpu.memory_space<vmem>>
      %dma_start3A_441 = tpu.memref_squeeze %dma_start3A_440 : memref<1x128x64xf32, #tpu.memory_space<vmem>> -> memref<128x64xf32, #tpu.memory_space<vmem>>
      %dma_start3A_442 = arith.constant 0 : i32
      %dma_start3A_443 = tpu.memref_slice %arg4[%add3A_437, %dma_start3A_442] : memref<819200x64xf32, #tpu.memory_space<hbm>> -> memref<128x64xf32, #tpu.memory_space<hbm>>
      %dma_start3A_444 = tpu.memref_slice %arg9[%rem3A_423] : memref<8x!tpu.dma_semaphore, #tpu.memory_space<semaphore_mem>> -> memref<1x!tpu.dma_semaphore, #tpu.memory_space<semaphore_mem>>
      %dma_start3A_445 = tpu.memref_squeeze %dma_start3A_444 : memref<1x!tpu.dma_semaphore, #tpu.memory_space<semaphore_mem>> -> memref<!tpu.dma_semaphore, #tpu.memory_space<semaphore_mem>>
      %dma_start3A_446 = arith.constant 0 : i32
      %dma_start3A_447 = tpu.memref_slice %arg4[%add3A_437, %dma_start3A_446] : memref<819200x64xf32, #tpu.memory_space<hbm>> -> memref<128x64xf32, #tpu.memory_space<hbm>>
      %dma_start3A_448 = arith.constant 0 : i32
      %dma_start3A_449 = arith.constant 0 : i32
      %dma_start3A_450 = tpu.memref_slice %arg6[%rem3A_423, %dma_start3A_448, %dma_start3A_449] : memref<8x128x64xf32, #tpu.memory_space<vmem>> -> memref<1x128x64xf32, #tpu.memory_space<vmem>>
      %dma_start3A_451 = tpu.memref_squeeze %dma_start3A_450 : memref<1x128x64xf32, #tpu.memory_space<vmem>> -> memref<128x64xf32, #tpu.memory_space<vmem>>
      tpu.enqueue_dma source(%dma_start3A_451 : memref<128x64xf32, #tpu.memory_space<vmem>>) target(%dma_start3A_447 : memref<128x64xf32, #tpu.memory_space<hbm>>) target_semaphore(%dma_start3A_445 : memref<!tpu.dma_semaphore, #tpu.memory_space<semaphore_mem>>)
    }
    %scan3A_86 = arith.constant 194 : i32
    %dma_wait3A_87 = arith.constant 2 : i32
    %dma_wait3A_88 = arith.constant 2 : i32
    %dma_wait3A_89 = arith.constant 0 : i32
    %dma_wait3A_90 = arith.constant 0 : i32
    %dma_wait3A_91 = tpu.memref_slice %arg6[%dma_wait3A_87, %dma_wait3A_89, %dma_wait3A_90] : memref<8x128x64xf32, #tpu.memory_space<vmem>> -> memref<1x128x64xf32, #tpu.memory_space<vmem>>
    %dma_wait3A_92 = tpu.memref_squeeze %dma_wait3A_91 : memref<1x128x64xf32, #tpu.memory_space<vmem>> -> memref<128x64xf32, #tpu.memory_space<vmem>>
    %dma_wait3A_93 = arith.constant 0 : i32
    %dma_wait3A_94 = tpu.memref_slice %arg5[%dma_wait3A_93] : memref<25600xi32, #tpu.memory_space<vmem>> -> memref<128xi32, #tpu.memory_space<vmem>>
    %dma_wait3A_95 = arith.constant 0 : i32
    %dma_wait3A_96 = arith.constant 0 : i32
    %dma_wait3A_97 = tpu.memref_slice %arg3[%dma_wait3A_95, %dma_wait3A_96] : memref<1000000x64xf32, #tpu.memory_space<hbm>> -> memref<1000000x64xf32, #tpu.memory_space<hbm>>
    %dma_wait3A_98 = tpu.memref_slice %arg8[%dma_wait3A_88] : memref<8x!tpu.dma_semaphore, #tpu.memory_space<semaphore_mem>> -> memref<1x!tpu.dma_semaphore, #tpu.memory_space<semaphore_mem>>
    %dma_wait3A_99 = tpu.memref_squeeze %dma_wait3A_98 : memref<1x!tpu.dma_semaphore, #tpu.memory_space<semaphore_mem>> -> memref<!tpu.dma_semaphore, #tpu.memory_space<semaphore_mem>>
    tpu.wait_indirect_dma semaphore(%dma_wait3A_99 : memref<!tpu.dma_semaphore, #tpu.memory_space<semaphore_mem>>) src(%dma_wait3A_97 : memref<1000000x64xf32, #tpu.memory_space<hbm>>) dst(%dma_wait3A_92 : memref<128x64xf32, #tpu.memory_space<vmem>>)
    %add3A_100 = arith.constant 24832 : i32
    %add3A_101 = arith.addi %mul3A_2, %add3A_100 : i32
    %dma_start3A_102 = arith.constant 2 : i32
    %dma_start3A_103 = arith.constant 2 : i32
    %dma_start3A_104 = arith.constant 0 : i32
    %dma_start3A_105 = arith.constant 0 : i32
    %dma_start3A_106 = tpu.memref_slice %arg6[%dma_start3A_102, %dma_start3A_104, %dma_start3A_105] : memref<8x128x64xf32, #tpu.memory_space<vmem>> -> memref<1x128x64xf32, #tpu.memory_space<vmem>>
    %dma_start3A_107 = tpu.memref_squeeze %dma_start3A_106 : memref<1x128x64xf32, #tpu.memory_space<vmem>> -> memref<128x64xf32, #tpu.memory_space<vmem>>
    %dma_start3A_108 = arith.constant 0 : i32
    %dma_start3A_109 = tpu.memref_slice %arg4[%add3A_101, %dma_start3A_108] : memref<819200x64xf32, #tpu.memory_space<hbm>> -> memref<128x64xf32, #tpu.memory_space<hbm>>
    %dma_start3A_110 = tpu.memref_slice %arg9[%dma_start3A_103] : memref<8x!tpu.dma_semaphore, #tpu.memory_space<semaphore_mem>> -> memref<1x!tpu.dma_semaphore, #tpu.memory_space<semaphore_mem>>
    %dma_start3A_111 = tpu.memref_squeeze %dma_start3A_110 : memref<1x!tpu.dma_semaphore, #tpu.memory_space<semaphore_mem>> -> memref<!tpu.dma_semaphore, #tpu.memory_space<semaphore_mem>>
    %dma_start3A_112 = arith.constant 0 : i32
    %dma_start3A_113 = tpu.memref_slice %arg4[%add3A_101, %dma_start3A_112] : memref<819200x64xf32, #tpu.memory_space<hbm>> -> memref<128x64xf32, #tpu.memory_space<hbm>>
    %dma_start3A_114 = arith.constant 0 : i32
    %dma_start3A_115 = arith.constant 0 : i32
    %dma_start3A_116 = tpu.memref_slice %arg6[%dma_start3A_102, %dma_start3A_114, %dma_start3A_115] : memref<8x128x64xf32, #tpu.memory_space<vmem>> -> memref<1x128x64xf32, #tpu.memory_space<vmem>>
    %dma_start3A_117 = tpu.memref_squeeze %dma_start3A_116 : memref<1x128x64xf32, #tpu.memory_space<vmem>> -> memref<128x64xf32, #tpu.memory_space<vmem>>
    tpu.enqueue_dma source(%dma_start3A_117 : memref<128x64xf32, #tpu.memory_space<vmem>>) target(%dma_start3A_113 : memref<128x64xf32, #tpu.memory_space<hbm>>) target_semaphore(%dma_start3A_111 : memref<!tpu.dma_semaphore, #tpu.memory_space<semaphore_mem>>)
    %dma_wait3A_118 = arith.constant 3 : i32
    %dma_wait3A_119 = arith.constant 3 : i32
    %dma_wait3A_120 = arith.constant 0 : i32
    %dma_wait3A_121 = arith.constant 0 : i32
    %dma_wait3A_122 = tpu.memref_slice %arg6[%dma_wait3A_118, %dma_wait3A_120, %dma_wait3A_121] : memref<8x128x64xf32, #tpu.memory_space<vmem>> -> memref<1x128x64xf32, #tpu.memory_space<vmem>>
    %dma_wait3A_123 = tpu.memref_squeeze %dma_wait3A_122 : memref<1x128x64xf32, #tpu.memory_space<vmem>> -> memref<128x64xf32, #tpu.memory_space<vmem>>
    %dma_wait3A_124 = arith.constant 0 : i32
    %dma_wait3A_125 = tpu.memref_slice %arg5[%dma_wait3A_124] : memref<25600xi32, #tpu.memory_space<vmem>> -> memref<128xi32, #tpu.memory_space<vmem>>
    %dma_wait3A_126 = arith.constant 0 : i32
    %dma_wait3A_127 = arith.constant 0 : i32
    %dma_wait3A_128 = tpu.memref_slice %arg3[%dma_wait3A_126, %dma_wait3A_127] : memref<1000000x64xf32, #tpu.memory_space<hbm>> -> memref<1000000x64xf32, #tpu.memory_space<hbm>>
    %dma_wait3A_129 = tpu.memref_slice %arg8[%dma_wait3A_119] : memref<8x!tpu.dma_semaphore, #tpu.memory_space<semaphore_mem>> -> memref<1x!tpu.dma_semaphore, #tpu.memory_space<semaphore_mem>>
    %dma_wait3A_130 = tpu.memref_squeeze %dma_wait3A_129 : memref<1x!tpu.dma_semaphore, #tpu.memory_space<semaphore_mem>> -> memref<!tpu.dma_semaphore, #tpu.memory_space<semaphore_mem>>
    tpu.wait_indirect_dma semaphore(%dma_wait3A_130 : memref<!tpu.dma_semaphore, #tpu.memory_space<semaphore_mem>>) src(%dma_wait3A_128 : memref<1000000x64xf32, #tpu.memory_space<hbm>>) dst(%dma_wait3A_123 : memref<128x64xf32, #tpu.memory_space<vmem>>)
    %add3A_131 = arith.constant 24960 : i32
    %add3A_132 = arith.addi %mul3A_2, %add3A_131 : i32
    %dma_start3A_133 = arith.constant 3 : i32
    %dma_start3A_134 = arith.constant 3 : i32
    %dma_start3A_135 = arith.constant 0 : i32
    %dma_start3A_136 = arith.constant 0 : i32
    %dma_start3A_137 = tpu.memref_slice %arg6[%dma_start3A_133, %dma_start3A_135, %dma_start3A_136] : memref<8x128x64xf32, #tpu.memory_space<vmem>> -> memref<1x128x64xf32, #tpu.memory_space<vmem>>
    %dma_start3A_138 = tpu.memref_squeeze %dma_start3A_137 : memref<1x128x64xf32, #tpu.memory_space<vmem>> -> memref<128x64xf32, #tpu.memory_space<vmem>>
    %dma_start3A_139 = arith.constant 0 : i32
    %dma_start3A_140 = tpu.memref_slice %arg4[%add3A_132, %dma_start3A_139] : memref<819200x64xf32, #tpu.memory_space<hbm>> -> memref<128x64xf32, #tpu.memory_space<hbm>>
    %dma_start3A_141 = tpu.memref_slice %arg9[%dma_start3A_134] : memref<8x!tpu.dma_semaphore, #tpu.memory_space<semaphore_mem>> -> memref<1x!tpu.dma_semaphore, #tpu.memory_space<semaphore_mem>>
    %dma_start3A_142 = tpu.memref_squeeze %dma_start3A_141 : memref<1x!tpu.dma_semaphore, #tpu.memory_space<semaphore_mem>> -> memref<!tpu.dma_semaphore, #tpu.memory_space<semaphore_mem>>
    %dma_start3A_143 = arith.constant 0 : i32
    %dma_start3A_144 = tpu.memref_slice %arg4[%add3A_132, %dma_start3A_143] : memref<819200x64xf32, #tpu.memory_space<hbm>> -> memref<128x64xf32, #tpu.memory_space<hbm>>
    %dma_start3A_145 = arith.constant 0 : i32
    %dma_start3A_146 = arith.constant 0 : i32
    %dma_start3A_147 = tpu.memref_slice %arg6[%dma_start3A_133, %dma_start3A_145, %dma_start3A_146] : memref<8x128x64xf32, #tpu.memory_space<vmem>> -> memref<1x128x64xf32, #tpu.memory_space<vmem>>
    %dma_start3A_148 = tpu.memref_squeeze %dma_start3A_147 : memref<1x128x64xf32, #tpu.memory_space<vmem>> -> memref<128x64xf32, #tpu.memory_space<vmem>>
    tpu.enqueue_dma source(%dma_start3A_148 : memref<128x64xf32, #tpu.memory_space<vmem>>) target(%dma_start3A_144 : memref<128x64xf32, #tpu.memory_space<hbm>>) target_semaphore(%dma_start3A_142 : memref<!tpu.dma_semaphore, #tpu.memory_space<semaphore_mem>>)
    %dma_wait3A_149 = arith.constant 4 : i32
    %dma_wait3A_150 = arith.constant 4 : i32
    %dma_wait3A_151 = arith.constant 0 : i32
    %dma_wait3A_152 = arith.constant 0 : i32
    %dma_wait3A_153 = tpu.memref_slice %arg6[%dma_wait3A_149, %dma_wait3A_151, %dma_wait3A_152] : memref<8x128x64xf32, #tpu.memory_space<vmem>> -> memref<1x128x64xf32, #tpu.memory_space<vmem>>
    %dma_wait3A_154 = tpu.memref_squeeze %dma_wait3A_153 : memref<1x128x64xf32, #tpu.memory_space<vmem>> -> memref<128x64xf32, #tpu.memory_space<vmem>>
    %dma_wait3A_155 = arith.constant 0 : i32
    %dma_wait3A_156 = tpu.memref_slice %arg5[%dma_wait3A_155] : memref<25600xi32, #tpu.memory_space<vmem>> -> memref<128xi32, #tpu.memory_space<vmem>>
    %dma_wait3A_157 = arith.constant 0 : i32
    %dma_wait3A_158 = arith.constant 0 : i32
    %dma_wait3A_159 = tpu.memref_slice %arg3[%dma_wait3A_157, %dma_wait3A_158] : memref<1000000x64xf32, #tpu.memory_space<hbm>> -> memref<1000000x64xf32, #tpu.memory_space<hbm>>
    %dma_wait3A_160 = tpu.memref_slice %arg8[%dma_wait3A_150] : memref<8x!tpu.dma_semaphore, #tpu.memory_space<semaphore_mem>> -> memref<1x!tpu.dma_semaphore, #tpu.memory_space<semaphore_mem>>
    %dma_wait3A_161 = tpu.memref_squeeze %dma_wait3A_160 : memref<1x!tpu.dma_semaphore, #tpu.memory_space<semaphore_mem>> -> memref<!tpu.dma_semaphore, #tpu.memory_space<semaphore_mem>>
    tpu.wait_indirect_dma semaphore(%dma_wait3A_161 : memref<!tpu.dma_semaphore, #tpu.memory_space<semaphore_mem>>) src(%dma_wait3A_159 : memref<1000000x64xf32, #tpu.memory_space<hbm>>) dst(%dma_wait3A_154 : memref<128x64xf32, #tpu.memory_space<vmem>>)
    %add3A_162 = arith.constant 25088 : i32
    %add3A_163 = arith.addi %mul3A_2, %add3A_162 : i32
    %dma_start3A_164 = arith.constant 4 : i32
    %dma_start3A_165 = arith.constant 4 : i32
    %dma_start3A_166 = arith.constant 0 : i32
    %dma_start3A_167 = arith.constant 0 : i32
    %dma_start3A_168 = tpu.memref_slice %arg6[%dma_start3A_164, %dma_start3A_166, %dma_start3A_167] : memref<8x128x64xf32, #tpu.memory_space<vmem>> -> memref<1x128x64xf32, #tpu.memory_space<vmem>>
    %dma_start3A_169 = tpu.memref_squeeze %dma_start3A_168 : memref<1x128x64xf32, #tpu.memory_space<vmem>> -> memref<128x64xf32, #tpu.memory_space<vmem>>
    %dma_start3A_170 = arith.constant 0 : i32
    %dma_start3A_171 = tpu.memref_slice %arg4[%add3A_163, %dma_start3A_170] : memref<819200x64xf32, #tpu.memory_space<hbm>> -> memref<128x64xf32, #tpu.memory_space<hbm>>
    %dma_start3A_172 = tpu.memref_slice %arg9[%dma_start3A_165] : memref<8x!tpu.dma_semaphore, #tpu.memory_space<semaphore_mem>> -> memref<1x!tpu.dma_semaphore, #tpu.memory_space<semaphore_mem>>
    %dma_start3A_173 = tpu.memref_squeeze %dma_start3A_172 : memref<1x!tpu.dma_semaphore, #tpu.memory_space<semaphore_mem>> -> memref<!tpu.dma_semaphore, #tpu.memory_space<semaphore_mem>>
    %dma_start3A_174 = arith.constant 0 : i32
    %dma_start3A_175 = tpu.memref_slice %arg4[%add3A_163, %dma_start3A_174] : memref<819200x64xf32, #tpu.memory_space<hbm>> -> memref<128x64xf32, #tpu.memory_space<hbm>>
    %dma_start3A_176 = arith.constant 0 : i32
    %dma_start3A_177 = arith.constant 0 : i32
    %dma_start3A_178 = tpu.memref_slice %arg6[%dma_start3A_164, %dma_start3A_176, %dma_start3A_177] : memref<8x128x64xf32, #tpu.memory_space<vmem>> -> memref<1x128x64xf32, #tpu.memory_space<vmem>>
    %dma_start3A_179 = tpu.memref_squeeze %dma_start3A_178 : memref<1x128x64xf32, #tpu.memory_space<vmem>> -> memref<128x64xf32, #tpu.memory_space<vmem>>
    tpu.enqueue_dma source(%dma_start3A_179 : memref<128x64xf32, #tpu.memory_space<vmem>>) target(%dma_start3A_175 : memref<128x64xf32, #tpu.memory_space<hbm>>) target_semaphore(%dma_start3A_173 : memref<!tpu.dma_semaphore, #tpu.memory_space<semaphore_mem>>)
    %dma_wait3A_180 = arith.constant 5 : i32
    %dma_wait3A_181 = arith.constant 5 : i32
    %dma_wait3A_182 = arith.constant 0 : i32
    %dma_wait3A_183 = arith.constant 0 : i32
    %dma_wait3A_184 = tpu.memref_slice %arg6[%dma_wait3A_180, %dma_wait3A_182, %dma_wait3A_183] : memref<8x128x64xf32, #tpu.memory_space<vmem>> -> memref<1x128x64xf32, #tpu.memory_space<vmem>>
    %dma_wait3A_185 = tpu.memref_squeeze %dma_wait3A_184 : memref<1x128x64xf32, #tpu.memory_space<vmem>> -> memref<128x64xf32, #tpu.memory_space<vmem>>
    %dma_wait3A_186 = arith.constant 0 : i32
    %dma_wait3A_187 = tpu.memref_slice %arg5[%dma_wait3A_186] : memref<25600xi32, #tpu.memory_space<vmem>> -> memref<128xi32, #tpu.memory_space<vmem>>
    %dma_wait3A_188 = arith.constant 0 : i32
    %dma_wait3A_189 = arith.constant 0 : i32
    %dma_wait3A_190 = tpu.memref_slice %arg3[%dma_wait3A_188, %dma_wait3A_189] : memref<1000000x64xf32, #tpu.memory_space<hbm>> -> memref<1000000x64xf32, #tpu.memory_space<hbm>>
    %dma_wait3A_191 = tpu.memref_slice %arg8[%dma_wait3A_181] : memref<8x!tpu.dma_semaphore, #tpu.memory_space<semaphore_mem>> -> memref<1x!tpu.dma_semaphore, #tpu.memory_space<semaphore_mem>>
    %dma_wait3A_192 = tpu.memref_squeeze %dma_wait3A_191 : memref<1x!tpu.dma_semaphore, #tpu.memory_space<semaphore_mem>> -> memref<!tpu.dma_semaphore, #tpu.memory_space<semaphore_mem>>
    tpu.wait_indirect_dma semaphore(%dma_wait3A_192 : memref<!tpu.dma_semaphore, #tpu.memory_space<semaphore_mem>>) src(%dma_wait3A_190 : memref<1000000x64xf32, #tpu.memory_space<hbm>>) dst(%dma_wait3A_185 : memref<128x64xf32, #tpu.memory_space<vmem>>)
    %add3A_193 = arith.constant 25216 : i32
    %add3A_194 = arith.addi %mul3A_2, %add3A_193 : i32
    %dma_start3A_195 = arith.constant 5 : i32
    %dma_start3A_196 = arith.constant 5 : i32
    %dma_start3A_197 = arith.constant 0 : i32
    %dma_start3A_198 = arith.constant 0 : i32
    %dma_start3A_199 = tpu.memref_slice %arg6[%dma_start3A_195, %dma_start3A_197, %dma_start3A_198] : memref<8x128x64xf32, #tpu.memory_space<vmem>> -> memref<1x128x64xf32, #tpu.memory_space<vmem>>
    %dma_start3A_200 = tpu.memref_squeeze %dma_start3A_199 : memref<1x128x64xf32, #tpu.memory_space<vmem>> -> memref<128x64xf32, #tpu.memory_space<vmem>>
    %dma_start3A_201 = arith.constant 0 : i32
    %dma_start3A_202 = tpu.memref_slice %arg4[%add3A_194, %dma_start3A_201] : memref<819200x64xf32, #tpu.memory_space<hbm>> -> memref<128x64xf32, #tpu.memory_space<hbm>>
    %dma_start3A_203 = tpu.memref_slice %arg9[%dma_start3A_196] : memref<8x!tpu.dma_semaphore, #tpu.memory_space<semaphore_mem>> -> memref<1x!tpu.dma_semaphore, #tpu.memory_space<semaphore_mem>>
    %dma_start3A_204 = tpu.memref_squeeze %dma_start3A_203 : memref<1x!tpu.dma_semaphore, #tpu.memory_space<semaphore_mem>> -> memref<!tpu.dma_semaphore, #tpu.memory_space<semaphore_mem>>
    %dma_start3A_205 = arith.constant 0 : i32
    %dma_start3A_206 = tpu.memref_slice %arg4[%add3A_194, %dma_start3A_205] : memref<819200x64xf32, #tpu.memory_space<hbm>> -> memref<128x64xf32, #tpu.memory_space<hbm>>
    %dma_start3A_207 = arith.constant 0 : i32
    %dma_start3A_208 = arith.constant 0 : i32
    %dma_start3A_209 = tpu.memref_slice %arg6[%dma_start3A_195, %dma_start3A_207, %dma_start3A_208] : memref<8x128x64xf32, #tpu.memory_space<vmem>> -> memref<1x128x64xf32, #tpu.memory_space<vmem>>
    %dma_start3A_210 = tpu.memref_squeeze %dma_start3A_209 : memref<1x128x64xf32, #tpu.memory_space<vmem>> -> memref<128x64xf32, #tpu.memory_space<vmem>>
    tpu.enqueue_dma source(%dma_start3A_210 : memref<128x64xf32, #tpu.memory_space<vmem>>) target(%dma_start3A_206 : memref<128x64xf32, #tpu.memory_space<hbm>>) target_semaphore(%dma_start3A_204 : memref<!tpu.dma_semaphore, #tpu.memory_space<semaphore_mem>>)
    %dma_wait3A_211 = arith.constant 6 : i32
    %dma_wait3A_212 = arith.constant 6 : i32
    %dma_wait3A_213 = arith.constant 0 : i32
    %dma_wait3A_214 = arith.constant 0 : i32
    %dma_wait3A_215 = tpu.memref_slice %arg6[%dma_wait3A_211, %dma_wait3A_213, %dma_wait3A_214] : memref<8x128x64xf32, #tpu.memory_space<vmem>> -> memref<1x128x64xf32, #tpu.memory_space<vmem>>
    %dma_wait3A_216 = tpu.memref_squeeze %dma_wait3A_215 : memref<1x128x64xf32, #tpu.memory_space<vmem>> -> memref<128x64xf32, #tpu.memory_space<vmem>>
    %dma_wait3A_217 = arith.constant 0 : i32
    %dma_wait3A_218 = tpu.memref_slice %arg5[%dma_wait3A_217] : memref<25600xi32, #tpu.memory_space<vmem>> -> memref<128xi32, #tpu.memory_space<vmem>>
    %dma_wait3A_219 = arith.constant 0 : i32
    %dma_wait3A_220 = arith.constant 0 : i32
    %dma_wait3A_221 = tpu.memref_slice %arg3[%dma_wait3A_219, %dma_wait3A_220] : memref<1000000x64xf32, #tpu.memory_space<hbm>> -> memref<1000000x64xf32, #tpu.memory_space<hbm>>
    %dma_wait3A_222 = tpu.memref_slice %arg8[%dma_wait3A_212] : memref<8x!tpu.dma_semaphore, #tpu.memory_space<semaphore_mem>> -> memref<1x!tpu.dma_semaphore, #tpu.memory_space<semaphore_mem>>
    %dma_wait3A_223 = tpu.memref_squeeze %dma_wait3A_222 : memref<1x!tpu.dma_semaphore, #tpu.memory_space<semaphore_mem>> -> memref<!tpu.dma_semaphore, #tpu.memory_space<semaphore_mem>>
    tpu.wait_indirect_dma semaphore(%dma_wait3A_223 : memref<!tpu.dma_semaphore, #tpu.memory_space<semaphore_mem>>) src(%dma_wait3A_221 : memref<1000000x64xf32, #tpu.memory_space<hbm>>) dst(%dma_wait3A_216 : memref<128x64xf32, #tpu.memory_space<vmem>>)
    %add3A_224 = arith.constant 25344 : i32
    %add3A_225 = arith.addi %mul3A_2, %add3A_224 : i32
    %dma_start3A_226 = arith.constant 6 : i32
    %dma_start3A_227 = arith.constant 6 : i32
    %dma_start3A_228 = arith.constant 0 : i32
    %dma_start3A_229 = arith.constant 0 : i32
    %dma_start3A_230 = tpu.memref_slice %arg6[%dma_start3A_226, %dma_start3A_228, %dma_start3A_229] : memref<8x128x64xf32, #tpu.memory_space<vmem>> -> memref<1x128x64xf32, #tpu.memory_space<vmem>>
    %dma_start3A_231 = tpu.memref_squeeze %dma_start3A_230 : memref<1x128x64xf32, #tpu.memory_space<vmem>> -> memref<128x64xf32, #tpu.memory_space<vmem>>
    %dma_start3A_232 = arith.constant 0 : i32
    %dma_start3A_233 = tpu.memref_slice %arg4[%add3A_225, %dma_start3A_232] : memref<819200x64xf32, #tpu.memory_space<hbm>> -> memref<128x64xf32, #tpu.memory_space<hbm>>
    %dma_start3A_234 = tpu.memref_slice %arg9[%dma_start3A_227] : memref<8x!tpu.dma_semaphore, #tpu.memory_space<semaphore_mem>> -> memref<1x!tpu.dma_semaphore, #tpu.memory_space<semaphore_mem>>
    %dma_start3A_235 = tpu.memref_squeeze %dma_start3A_234 : memref<1x!tpu.dma_semaphore, #tpu.memory_space<semaphore_mem>> -> memref<!tpu.dma_semaphore, #tpu.memory_space<semaphore_mem>>
    %dma_start3A_236 = arith.constant 0 : i32
    %dma_start3A_237 = tpu.memref_slice %arg4[%add3A_225, %dma_start3A_236] : memref<819200x64xf32, #tpu.memory_space<hbm>> -> memref<128x64xf32, #tpu.memory_space<hbm>>
    %dma_start3A_238 = arith.constant 0 : i32
    %dma_start3A_239 = arith.constant 0 : i32
    %dma_start3A_240 = tpu.memref_slice %arg6[%dma_start3A_226, %dma_start3A_238, %dma_start3A_239] : memref<8x128x64xf32, #tpu.memory_space<vmem>> -> memref<1x128x64xf32, #tpu.memory_space<vmem>>
    %dma_start3A_241 = tpu.memref_squeeze %dma_start3A_240 : memref<1x128x64xf32, #tpu.memory_space<vmem>> -> memref<128x64xf32, #tpu.memory_space<vmem>>
    tpu.enqueue_dma source(%dma_start3A_241 : memref<128x64xf32, #tpu.memory_space<vmem>>) target(%dma_start3A_237 : memref<128x64xf32, #tpu.memory_space<hbm>>) target_semaphore(%dma_start3A_235 : memref<!tpu.dma_semaphore, #tpu.memory_space<semaphore_mem>>)
    %dma_wait3A_242 = arith.constant 7 : i32
    %dma_wait3A_243 = arith.constant 7 : i32
    %dma_wait3A_244 = arith.constant 0 : i32
    %dma_wait3A_245 = arith.constant 0 : i32
    %dma_wait3A_246 = tpu.memref_slice %arg6[%dma_wait3A_242, %dma_wait3A_244, %dma_wait3A_245] : memref<8x128x64xf32, #tpu.memory_space<vmem>> -> memref<1x128x64xf32, #tpu.memory_space<vmem>>
    %dma_wait3A_247 = tpu.memref_squeeze %dma_wait3A_246 : memref<1x128x64xf32, #tpu.memory_space<vmem>> -> memref<128x64xf32, #tpu.memory_space<vmem>>
    %dma_wait3A_248 = arith.constant 0 : i32
    %dma_wait3A_249 = tpu.memref_slice %arg5[%dma_wait3A_248] : memref<25600xi32, #tpu.memory_space<vmem>> -> memref<128xi32, #tpu.memory_space<vmem>>
    %dma_wait3A_250 = arith.constant 0 : i32
    %dma_wait3A_251 = arith.constant 0 : i32
    %dma_wait3A_252 = tpu.memref_slice %arg3[%dma_wait3A_250, %dma_wait3A_251] : memref<1000000x64xf32, #tpu.memory_space<hbm>> -> memref<1000000x64xf32, #tpu.memory_space<hbm>>
    %dma_wait3A_253 = tpu.memref_slice %arg8[%dma_wait3A_243] : memref<8x!tpu.dma_semaphore, #tpu.memory_space<semaphore_mem>> -> memref<1x!tpu.dma_semaphore, #tpu.memory_space<semaphore_mem>>
    %dma_wait3A_254 = tpu.memref_squeeze %dma_wait3A_253 : memref<1x!tpu.dma_semaphore, #tpu.memory_space<semaphore_mem>> -> memref<!tpu.dma_semaphore, #tpu.memory_space<semaphore_mem>>
    tpu.wait_indirect_dma semaphore(%dma_wait3A_254 : memref<!tpu.dma_semaphore, #tpu.memory_space<semaphore_mem>>) src(%dma_wait3A_252 : memref<1000000x64xf32, #tpu.memory_space<hbm>>) dst(%dma_wait3A_247 : memref<128x64xf32, #tpu.memory_space<vmem>>)
    %add3A_255 = arith.constant 25472 : i32
    %add3A_256 = arith.addi %mul3A_2, %add3A_255 : i32
    %dma_start3A_257 = arith.constant 7 : i32
    %dma_start3A_258 = arith.constant 7 : i32
    %dma_start3A_259 = arith.constant 0 : i32
    %dma_start3A_260 = arith.constant 0 : i32
    %dma_start3A_261 = tpu.memref_slice %arg6[%dma_start3A_257, %dma_start3A_259, %dma_start3A_260] : memref<8x128x64xf32, #tpu.memory_space<vmem>> -> memref<1x128x64xf32, #tpu.memory_space<vmem>>
    %dma_start3A_262 = tpu.memref_squeeze %dma_start3A_261 : memref<1x128x64xf32, #tpu.memory_space<vmem>> -> memref<128x64xf32, #tpu.memory_space<vmem>>
    %dma_start3A_263 = arith.constant 0 : i32
    %dma_start3A_264 = tpu.memref_slice %arg4[%add3A_256, %dma_start3A_263] : memref<819200x64xf32, #tpu.memory_space<hbm>> -> memref<128x64xf32, #tpu.memory_space<hbm>>
    %dma_start3A_265 = tpu.memref_slice %arg9[%dma_start3A_258] : memref<8x!tpu.dma_semaphore, #tpu.memory_space<semaphore_mem>> -> memref<1x!tpu.dma_semaphore, #tpu.memory_space<semaphore_mem>>
    %dma_start3A_266 = tpu.memref_squeeze %dma_start3A_265 : memref<1x!tpu.dma_semaphore, #tpu.memory_space<semaphore_mem>> -> memref<!tpu.dma_semaphore, #tpu.memory_space<semaphore_mem>>
    %dma_start3A_267 = arith.constant 0 : i32
    %dma_start3A_268 = tpu.memref_slice %arg4[%add3A_256, %dma_start3A_267] : memref<819200x64xf32, #tpu.memory_space<hbm>> -> memref<128x64xf32, #tpu.memory_space<hbm>>
    %dma_start3A_269 = arith.constant 0 : i32
    %dma_start3A_270 = arith.constant 0 : i32
    %dma_start3A_271 = tpu.memref_slice %arg6[%dma_start3A_257, %dma_start3A_269, %dma_start3A_270] : memref<8x128x64xf32, #tpu.memory_space<vmem>> -> memref<1x128x64xf32, #tpu.memory_space<vmem>>
    %dma_start3A_272 = tpu.memref_squeeze %dma_start3A_271 : memref<1x128x64xf32, #tpu.memory_space<vmem>> -> memref<128x64xf32, #tpu.memory_space<vmem>>
    tpu.enqueue_dma source(%dma_start3A_272 : memref<128x64xf32, #tpu.memory_space<vmem>>) target(%dma_start3A_268 : memref<128x64xf32, #tpu.memory_space<hbm>>) target_semaphore(%dma_start3A_266 : memref<!tpu.dma_semaphore, #tpu.memory_space<semaphore_mem>>)
    %dma_wait3A_273 = arith.constant 0 : i32
    %dma_wait3A_274 = arith.constant 0 : i32
    %dma_wait3A_275 = arith.constant 0 : i32
    %dma_wait3A_276 = arith.constant 0 : i32
    %dma_wait3A_277 = tpu.memref_slice %arg6[%dma_wait3A_273, %dma_wait3A_275, %dma_wait3A_276] : memref<8x128x64xf32, #tpu.memory_space<vmem>> -> memref<1x128x64xf32, #tpu.memory_space<vmem>>
    %dma_wait3A_278 = tpu.memref_squeeze %dma_wait3A_277 : memref<1x128x64xf32, #tpu.memory_space<vmem>> -> memref<128x64xf32, #tpu.memory_space<vmem>>
    %dma_wait3A_279 = arith.constant 0 : i32
    %dma_wait3A_280 = tpu.memref_slice %arg4[%mul3A_2, %dma_wait3A_279] : memref<819200x64xf32, #tpu.memory_space<hbm>> -> memref<128x64xf32, #tpu.memory_space<hbm>>
    %dma_wait3A_281 = tpu.memref_slice %arg9[%dma_wait3A_274] : memref<8x!tpu.dma_semaphore, #tpu.memory_space<semaphore_mem>> -> memref<1x!tpu.dma_semaphore, #tpu.memory_space<semaphore_mem>>
    %dma_wait3A_282 = tpu.memref_squeeze %dma_wait3A_281 : memref<1x!tpu.dma_semaphore, #tpu.memory_space<semaphore_mem>> -> memref<!tpu.dma_semaphore, #tpu.memory_space<semaphore_mem>>
    %dma_wait3A_283 = arith.constant 0 : i32
    %dma_wait3A_284 = tpu.memref_slice %arg4[%mul3A_2, %dma_wait3A_283] : memref<819200x64xf32, #tpu.memory_space<hbm>> -> memref<128x64xf32, #tpu.memory_space<hbm>>
    %dma_wait3A_285 = arith.constant 0 : i32
    %dma_wait3A_286 = arith.constant 0 : i32
    %dma_wait3A_287 = tpu.memref_slice %arg6[%dma_wait3A_273, %dma_wait3A_285, %dma_wait3A_286] : memref<8x128x64xf32, #tpu.memory_space<vmem>> -> memref<1x128x64xf32, #tpu.memory_space<vmem>>
    %dma_wait3A_288 = tpu.memref_squeeze %dma_wait3A_287 : memref<1x128x64xf32, #tpu.memory_space<vmem>> -> memref<128x64xf32, #tpu.memory_space<vmem>>
    tpu.wait_dma2 semaphore(%dma_wait3A_282 : memref<!tpu.dma_semaphore, #tpu.memory_space<semaphore_mem>>) src(%dma_wait3A_288 : memref<128x64xf32, #tpu.memory_space<vmem>>) dst(%dma_wait3A_284 : memref<128x64xf32, #tpu.memory_space<hbm>>)
    %dma_wait3A_289 = arith.constant 1 : i32
    %dma_wait3A_290 = arith.constant 1 : i32
    %dma_wait3A_291 = arith.constant 0 : i32
    %dma_wait3A_292 = arith.constant 0 : i32
    %dma_wait3A_293 = tpu.memref_slice %arg6[%dma_wait3A_289, %dma_wait3A_291, %dma_wait3A_292] : memref<8x128x64xf32, #tpu.memory_space<vmem>> -> memref<1x128x64xf32, #tpu.memory_space<vmem>>
    %dma_wait3A_294 = tpu.memref_squeeze %dma_wait3A_293 : memref<1x128x64xf32, #tpu.memory_space<vmem>> -> memref<128x64xf32, #tpu.memory_space<vmem>>
    %dma_wait3A_295 = arith.constant 0 : i32
    %dma_wait3A_296 = tpu.memref_slice %arg4[%mul3A_2, %dma_wait3A_295] : memref<819200x64xf32, #tpu.memory_space<hbm>> -> memref<128x64xf32, #tpu.memory_space<hbm>>
    %dma_wait3A_297 = tpu.memref_slice %arg9[%dma_wait3A_290] : memref<8x!tpu.dma_semaphore, #tpu.memory_space<semaphore_mem>> -> memref<1x!tpu.dma_semaphore, #tpu.memory_space<semaphore_mem>>
    %dma_wait3A_298 = tpu.memref_squeeze %dma_wait3A_297 : memref<1x!tpu.dma_semaphore, #tpu.memory_space<semaphore_mem>> -> memref<!tpu.dma_semaphore, #tpu.memory_space<semaphore_mem>>
    %dma_wait3A_299 = arith.constant 0 : i32
    %dma_wait3A_300 = tpu.memref_slice %arg4[%mul3A_2, %dma_wait3A_299] : memref<819200x64xf32, #tpu.memory_space<hbm>> -> memref<128x64xf32, #tpu.memory_space<hbm>>
    %dma_wait3A_301 = arith.constant 0 : i32
    %dma_wait3A_302 = arith.constant 0 : i32
    %dma_wait3A_303 = tpu.memref_slice %arg6[%dma_wait3A_289, %dma_wait3A_301, %dma_wait3A_302] : memref<8x128x64xf32, #tpu.memory_space<vmem>> -> memref<1x128x64xf32, #tpu.memory_space<vmem>>
    %dma_wait3A_304 = tpu.memref_squeeze %dma_wait3A_303 : memref<1x128x64xf32, #tpu.memory_space<vmem>> -> memref<128x64xf32, #tpu.memory_space<vmem>>
    tpu.wait_dma2 semaphore(%dma_wait3A_298 : memref<!tpu.dma_semaphore, #tpu.memory_space<semaphore_mem>>) src(%dma_wait3A_304 : memref<128x64xf32, #tpu.memory_space<vmem>>) dst(%dma_wait3A_300 : memref<128x64xf32, #tpu.memory_space<hbm>>)
    %dma_wait3A_305 = arith.constant 2 : i32
    %dma_wait3A_306 = arith.constant 2 : i32
    %dma_wait3A_307 = arith.constant 0 : i32
    %dma_wait3A_308 = arith.constant 0 : i32
    %dma_wait3A_309 = tpu.memref_slice %arg6[%dma_wait3A_305, %dma_wait3A_307, %dma_wait3A_308] : memref<8x128x64xf32, #tpu.memory_space<vmem>> -> memref<1x128x64xf32, #tpu.memory_space<vmem>>
    %dma_wait3A_310 = tpu.memref_squeeze %dma_wait3A_309 : memref<1x128x64xf32, #tpu.memory_space<vmem>> -> memref<128x64xf32, #tpu.memory_space<vmem>>
    %dma_wait3A_311 = arith.constant 0 : i32
    %dma_wait3A_312 = tpu.memref_slice %arg4[%mul3A_2, %dma_wait3A_311] : memref<819200x64xf32, #tpu.memory_space<hbm>> -> memref<128x64xf32, #tpu.memory_space<hbm>>
    %dma_wait3A_313 = tpu.memref_slice %arg9[%dma_wait3A_306] : memref<8x!tpu.dma_semaphore, #tpu.memory_space<semaphore_mem>> -> memref<1x!tpu.dma_semaphore, #tpu.memory_space<semaphore_mem>>
    %dma_wait3A_314 = tpu.memref_squeeze %dma_wait3A_313 : memref<1x!tpu.dma_semaphore, #tpu.memory_space<semaphore_mem>> -> memref<!tpu.dma_semaphore, #tpu.memory_space<semaphore_mem>>
    %dma_wait3A_315 = arith.constant 0 : i32
    %dma_wait3A_316 = tpu.memref_slice %arg4[%mul3A_2, %dma_wait3A_315] : memref<819200x64xf32, #tpu.memory_space<hbm>> -> memref<128x64xf32, #tpu.memory_space<hbm>>
    %dma_wait3A_317 = arith.constant 0 : i32
    %dma_wait3A_318 = arith.constant 0 : i32
    %dma_wait3A_319 = tpu.memref_slice %arg6[%dma_wait3A_305, %dma_wait3A_317, %dma_wait3A_318] : memref<8x128x64xf32, #tpu.memory_space<vmem>> -> memref<1x128x64xf32, #tpu.memory_space<vmem>>
    %dma_wait3A_320 = tpu.memref_squeeze %dma_wait3A_319 : memref<1x128x64xf32, #tpu.memory_space<vmem>> -> memref<128x64xf32, #tpu.memory_space<vmem>>
    tpu.wait_dma2 semaphore(%dma_wait3A_314 : memref<!tpu.dma_semaphore, #tpu.memory_space<semaphore_mem>>) src(%dma_wait3A_320 : memref<128x64xf32, #tpu.memory_space<vmem>>) dst(%dma_wait3A_316 : memref<128x64xf32, #tpu.memory_space<hbm>>)
    %dma_wait3A_321 = arith.constant 3 : i32
    %dma_wait3A_322 = arith.constant 3 : i32
    %dma_wait3A_323 = arith.constant 0 : i32
    %dma_wait3A_324 = arith.constant 0 : i32
    %dma_wait3A_325 = tpu.memref_slice %arg6[%dma_wait3A_321, %dma_wait3A_323, %dma_wait3A_324] : memref<8x128x64xf32, #tpu.memory_space<vmem>> -> memref<1x128x64xf32, #tpu.memory_space<vmem>>
    %dma_wait3A_326 = tpu.memref_squeeze %dma_wait3A_325 : memref<1x128x64xf32, #tpu.memory_space<vmem>> -> memref<128x64xf32, #tpu.memory_space<vmem>>
    %dma_wait3A_327 = arith.constant 0 : i32
    %dma_wait3A_328 = tpu.memref_slice %arg4[%mul3A_2, %dma_wait3A_327] : memref<819200x64xf32, #tpu.memory_space<hbm>> -> memref<128x64xf32, #tpu.memory_space<hbm>>
    %dma_wait3A_329 = tpu.memref_slice %arg9[%dma_wait3A_322] : memref<8x!tpu.dma_semaphore, #tpu.memory_space<semaphore_mem>> -> memref<1x!tpu.dma_semaphore, #tpu.memory_space<semaphore_mem>>
    %dma_wait3A_330 = tpu.memref_squeeze %dma_wait3A_329 : memref<1x!tpu.dma_semaphore, #tpu.memory_space<semaphore_mem>> -> memref<!tpu.dma_semaphore, #tpu.memory_space<semaphore_mem>>
    %dma_wait3A_331 = arith.constant 0 : i32
    %dma_wait3A_332 = tpu.memref_slice %arg4[%mul3A_2, %dma_wait3A_331] : memref<819200x64xf32, #tpu.memory_space<hbm>> -> memref<128x64xf32, #tpu.memory_space<hbm>>
    %dma_wait3A_333 = arith.constant 0 : i32
    %dma_wait3A_334 = arith.constant 0 : i32
    %dma_wait3A_335 = tpu.memref_slice %arg6[%dma_wait3A_321, %dma_wait3A_333, %dma_wait3A_334] : memref<8x128x64xf32, #tpu.memory_space<vmem>> -> memref<1x128x64xf32, #tpu.memory_space<vmem>>
    %dma_wait3A_336 = tpu.memref_squeeze %dma_wait3A_335 : memref<1x128x64xf32, #tpu.memory_space<vmem>> -> memref<128x64xf32, #tpu.memory_space<vmem>>
    tpu.wait_dma2 semaphore(%dma_wait3A_330 : memref<!tpu.dma_semaphore, #tpu.memory_space<semaphore_mem>>) src(%dma_wait3A_336 : memref<128x64xf32, #tpu.memory_space<vmem>>) dst(%dma_wait3A_332 : memref<128x64xf32, #tpu.memory_space<hbm>>)
    %dma_wait3A_337 = arith.constant 4 : i32
    %dma_wait3A_338 = arith.constant 4 : i32
    %dma_wait3A_339 = arith.constant 0 : i32
    %dma_wait3A_340 = arith.constant 0 : i32
    %dma_wait3A_341 = tpu.memref_slice %arg6[%dma_wait3A_337, %dma_wait3A_339, %dma_wait3A_340] : memref<8x128x64xf32, #tpu.memory_space<vmem>> -> memref<1x128x64xf32, #tpu.memory_space<vmem>>
    %dma_wait3A_342 = tpu.memref_squeeze %dma_wait3A_341 : memref<1x128x64xf32, #tpu.memory_space<vmem>> -> memref<128x64xf32, #tpu.memory_space<vmem>>
    %dma_wait3A_343 = arith.constant 0 : i32
    %dma_wait3A_344 = tpu.memref_slice %arg4[%mul3A_2, %dma_wait3A_343] : memref<819200x64xf32, #tpu.memory_space<hbm>> -> memref<128x64xf32, #tpu.memory_space<hbm>>
    %dma_wait3A_345 = tpu.memref_slice %arg9[%dma_wait3A_338] : memref<8x!tpu.dma_semaphore, #tpu.memory_space<semaphore_mem>> -> memref<1x!tpu.dma_semaphore, #tpu.memory_space<semaphore_mem>>
    %dma_wait3A_346 = tpu.memref_squeeze %dma_wait3A_345 : memref<1x!tpu.dma_semaphore, #tpu.memory_space<semaphore_mem>> -> memref<!tpu.dma_semaphore, #tpu.memory_space<semaphore_mem>>
    %dma_wait3A_347 = arith.constant 0 : i32
    %dma_wait3A_348 = tpu.memref_slice %arg4[%mul3A_2, %dma_wait3A_347] : memref<819200x64xf32, #tpu.memory_space<hbm>> -> memref<128x64xf32, #tpu.memory_space<hbm>>
    %dma_wait3A_349 = arith.constant 0 : i32
    %dma_wait3A_350 = arith.constant 0 : i32
    %dma_wait3A_351 = tpu.memref_slice %arg6[%dma_wait3A_337, %dma_wait3A_349, %dma_wait3A_350] : memref<8x128x64xf32, #tpu.memory_space<vmem>> -> memref<1x128x64xf32, #tpu.memory_space<vmem>>
    %dma_wait3A_352 = tpu.memref_squeeze %dma_wait3A_351 : memref<1x128x64xf32, #tpu.memory_space<vmem>> -> memref<128x64xf32, #tpu.memory_space<vmem>>
    tpu.wait_dma2 semaphore(%dma_wait3A_346 : memref<!tpu.dma_semaphore, #tpu.memory_space<semaphore_mem>>) src(%dma_wait3A_352 : memref<128x64xf32, #tpu.memory_space<vmem>>) dst(%dma_wait3A_348 : memref<128x64xf32, #tpu.memory_space<hbm>>)
    %dma_wait3A_353 = arith.constant 5 : i32
    %dma_wait3A_354 = arith.constant 5 : i32
    %dma_wait3A_355 = arith.constant 0 : i32
    %dma_wait3A_356 = arith.constant 0 : i32
    %dma_wait3A_357 = tpu.memref_slice %arg6[%dma_wait3A_353, %dma_wait3A_355, %dma_wait3A_356] : memref<8x128x64xf32, #tpu.memory_space<vmem>> -> memref<1x128x64xf32, #tpu.memory_space<vmem>>
    %dma_wait3A_358 = tpu.memref_squeeze %dma_wait3A_357 : memref<1x128x64xf32, #tpu.memory_space<vmem>> -> memref<128x64xf32, #tpu.memory_space<vmem>>
    %dma_wait3A_359 = arith.constant 0 : i32
    %dma_wait3A_360 = tpu.memref_slice %arg4[%mul3A_2, %dma_wait3A_359] : memref<819200x64xf32, #tpu.memory_space<hbm>> -> memref<128x64xf32, #tpu.memory_space<hbm>>
    %dma_wait3A_361 = tpu.memref_slice %arg9[%dma_wait3A_354] : memref<8x!tpu.dma_semaphore, #tpu.memory_space<semaphore_mem>> -> memref<1x!tpu.dma_semaphore, #tpu.memory_space<semaphore_mem>>
    %dma_wait3A_362 = tpu.memref_squeeze %dma_wait3A_361 : memref<1x!tpu.dma_semaphore, #tpu.memory_space<semaphore_mem>> -> memref<!tpu.dma_semaphore, #tpu.memory_space<semaphore_mem>>
    %dma_wait3A_363 = arith.constant 0 : i32
    %dma_wait3A_364 = tpu.memref_slice %arg4[%mul3A_2, %dma_wait3A_363] : memref<819200x64xf32, #tpu.memory_space<hbm>> -> memref<128x64xf32, #tpu.memory_space<hbm>>
    %dma_wait3A_365 = arith.constant 0 : i32
    %dma_wait3A_366 = arith.constant 0 : i32
    %dma_wait3A_367 = tpu.memref_slice %arg6[%dma_wait3A_353, %dma_wait3A_365, %dma_wait3A_366] : memref<8x128x64xf32, #tpu.memory_space<vmem>> -> memref<1x128x64xf32, #tpu.memory_space<vmem>>
    %dma_wait3A_368 = tpu.memref_squeeze %dma_wait3A_367 : memref<1x128x64xf32, #tpu.memory_space<vmem>> -> memref<128x64xf32, #tpu.memory_space<vmem>>
    tpu.wait_dma2 semaphore(%dma_wait3A_362 : memref<!tpu.dma_semaphore, #tpu.memory_space<semaphore_mem>>) src(%dma_wait3A_368 : memref<128x64xf32, #tpu.memory_space<vmem>>) dst(%dma_wait3A_364 : memref<128x64xf32, #tpu.memory_space<hbm>>)
    %dma_wait3A_369 = arith.constant 6 : i32
    %dma_wait3A_370 = arith.constant 6 : i32
    %dma_wait3A_371 = arith.constant 0 : i32
    %dma_wait3A_372 = arith.constant 0 : i32
    %dma_wait3A_373 = tpu.memref_slice %arg6[%dma_wait3A_369, %dma_wait3A_371, %dma_wait3A_372] : memref<8x128x64xf32, #tpu.memory_space<vmem>> -> memref<1x128x64xf32, #tpu.memory_space<vmem>>
    %dma_wait3A_374 = tpu.memref_squeeze %dma_wait3A_373 : memref<1x128x64xf32, #tpu.memory_space<vmem>> -> memref<128x64xf32, #tpu.memory_space<vmem>>
    %dma_wait3A_375 = arith.constant 0 : i32
    %dma_wait3A_376 = tpu.memref_slice %arg4[%mul3A_2, %dma_wait3A_375] : memref<819200x64xf32, #tpu.memory_space<hbm>> -> memref<128x64xf32, #tpu.memory_space<hbm>>
    %dma_wait3A_377 = tpu.memref_slice %arg9[%dma_wait3A_370] : memref<8x!tpu.dma_semaphore, #tpu.memory_space<semaphore_mem>> -> memref<1x!tpu.dma_semaphore, #tpu.memory_space<semaphore_mem>>
    %dma_wait3A_378 = tpu.memref_squeeze %dma_wait3A_377 : memref<1x!tpu.dma_semaphore, #tpu.memory_space<semaphore_mem>> -> memref<!tpu.dma_semaphore, #tpu.memory_space<semaphore_mem>>
    %dma_wait3A_379 = arith.constant 0 : i32
    %dma_wait3A_380 = tpu.memref_slice %arg4[%mul3A_2, %dma_wait3A_379] : memref<819200x64xf32, #tpu.memory_space<hbm>> -> memref<128x64xf32, #tpu.memory_space<hbm>>
    %dma_wait3A_381 = arith.constant 0 : i32
    %dma_wait3A_382 = arith.constant 0 : i32
    %dma_wait3A_383 = tpu.memref_slice %arg6[%dma_wait3A_369, %dma_wait3A_381, %dma_wait3A_382] : memref<8x128x64xf32, #tpu.memory_space<vmem>> -> memref<1x128x64xf32, #tpu.memory_space<vmem>>
    %dma_wait3A_384 = tpu.memref_squeeze %dma_wait3A_383 : memref<1x128x64xf32, #tpu.memory_space<vmem>> -> memref<128x64xf32, #tpu.memory_space<vmem>>
    tpu.wait_dma2 semaphore(%dma_wait3A_378 : memref<!tpu.dma_semaphore, #tpu.memory_space<semaphore_mem>>) src(%dma_wait3A_384 : memref<128x64xf32, #tpu.memory_space<vmem>>) dst(%dma_wait3A_380 : memref<128x64xf32, #tpu.memory_space<hbm>>)
    %dma_wait3A_385 = arith.constant 7 : i32
    %dma_wait3A_386 = arith.constant 7 : i32
    %dma_wait3A_387 = arith.constant 0 : i32
    %dma_wait3A_388 = arith.constant 0 : i32
    %dma_wait3A_389 = tpu.memref_slice %arg6[%dma_wait3A_385, %dma_wait3A_387, %dma_wait3A_388] : memref<8x128x64xf32, #tpu.memory_space<vmem>> -> memref<1x128x64xf32, #tpu.memory_space<vmem>>
    %dma_wait3A_390 = tpu.memref_squeeze %dma_wait3A_389 : memref<1x128x64xf32, #tpu.memory_space<vmem>> -> memref<128x64xf32, #tpu.memory_space<vmem>>
    %dma_wait3A_391 = arith.constant 0 : i32
    %dma_wait3A_392 = tpu.memref_slice %arg4[%mul3A_2, %dma_wait3A_391] : memref<819200x64xf32, #tpu.memory_space<hbm>> -> memref<128x64xf32, #tpu.memory_space<hbm>>
    %dma_wait3A_393 = tpu.memref_slice %arg9[%dma_wait3A_386] : memref<8x!tpu.dma_semaphore, #tpu.memory_space<semaphore_mem>> -> memref<1x!tpu.dma_semaphore, #tpu.memory_space<semaphore_mem>>
    %dma_wait3A_394 = tpu.memref_squeeze %dma_wait3A_393 : memref<1x!tpu.dma_semaphore, #tpu.memory_space<semaphore_mem>> -> memref<!tpu.dma_semaphore, #tpu.memory_space<semaphore_mem>>
    %dma_wait3A_395 = arith.constant 0 : i32
    %dma_wait3A_396 = tpu.memref_slice %arg4[%mul3A_2, %dma_wait3A_395] : memref<819200x64xf32, #tpu.memory_space<hbm>> -> memref<128x64xf32, #tpu.memory_space<hbm>>
    %dma_wait3A_397 = arith.constant 0 : i32
    %dma_wait3A_398 = arith.constant 0 : i32
    %dma_wait3A_399 = tpu.memref_slice %arg6[%dma_wait3A_385, %dma_wait3A_397, %dma_wait3A_398] : memref<8x128x64xf32, #tpu.memory_space<vmem>> -> memref<1x128x64xf32, #tpu.memory_space<vmem>>
    %dma_wait3A_400 = tpu.memref_squeeze %dma_wait3A_399 : memref<1x128x64xf32, #tpu.memory_space<vmem>> -> memref<128x64xf32, #tpu.memory_space<vmem>>
    tpu.wait_dma2 semaphore(%dma_wait3A_394 : memref<!tpu.dma_semaphore, #tpu.memory_space<semaphore_mem>>) src(%dma_wait3A_400 : memref<128x64xf32, #tpu.memory_space<vmem>>) dst(%dma_wait3A_396 : memref<128x64xf32, #tpu.memory_space<hbm>>)
    return
  }
}

</mosaic_0001>

<sc_bundles>
// kernel: kernel.3.cloned.1.call-start
scs
__scs_entry_jumppad:
0x0: {  	(pc) =	sbr.rel $0x88, $3  }
0x1: {  	(tag) =	ssettag $0x0;
	lr =	simm.s32 $0x1  }
0x2: {  	[smem:$0x3F9F] =	sst lr;
	_ =	strace $0xD0000000  }
0x3: {  	_ = 	snop  }
0x4: {  	_ = 	snop  }
0x5: {  	_ = 	snop  }
0x6: {  	_ = 	snop  }
0x7: {  	_ = 	snop  }
__scs_overlays_trampoline_lowered:
0x8: {  	[smem:$0x3FAE] =	sst s0  }
0x9: {  	[smem:$0x3FAF] =	sst s1  }
0xa: {  	[smem:$0x3FB0] =	sst s2  }
0xb: {  	[smem:$0x3FB1] =	sst s3  }
0xc: {  	[smem:$0x3FB2] =	sst s4  }
0xd: {  	[smem:$0x3FB3] =	sst s5  }
0xe: {  	[smem:$0x3FB4] =	sst s6  }
0xf: {  	[smem:$0x3FB5] =	sst s7  }
0x10: {  	[smem:$0x3FB6] =	sst s8  }
0x11: {  	[smem:$0x3FB7] =	sst s9;
	s0 =	simm.s32 @!p0 $0x0  }
0x12: {  	s1 =	sld [smem:$0x3F9D];
	s0 =	simm.s32 @p0 $0x1  }
0x13: {  	[smem:$0x3FB8] =	sst s0;
	s0 =	simm.s32 @!p1 $0x0  }
0x14: {  	s2 =	sld [smem:$0x3F9C];
	s0 =	simm.s32 @p1 $0x1  }
0x15: {  	[smem:$0x3FB9] =	sst s0;
	s0 =	simm.s32 @!p2 $0x0  }
0x16: {  	s3 =	sld [smem:$0x3FDB];
	s0 =	simm.s32 @p2 $0x1  }
0x17: {  	s4 =	simm.s32 $0x1BF5;
	[smem:$0x3FBB] =	sst s0  }
0x18: {  	s0 =	sld [smem:$0x3F9E];
	_ =	swait.ge [sflag:s4], $0x0  }
0x19: {  	s7 =	sld [smem:$0x3F9F]  }
0x1a: {  	s8 =	sadd.s32 $0xFFFFE003, lr  }
0x1b: {  	s9 =	sadd.s32 $0xFFFFFEF7, lr;
	s5 =	simm.s32 $0xFFFFFFFF;
	p2 =	slt.u32 s8, $0xFFFFF086  }
0x1c: {  	p1 =	slt.u32 s9, $0xF7A;
	s5 =	simm.s32 @!p2 $0x0  }
0x1d: {  	s5 =	simm.s32 @p1 $0x1;
	p0 =	seq.s32 s7, s2  }
0x1e: {  	s7 =	smul.u32 @!p0 $0xF7A, s2;
	p2 =	seq.s32 @!p0 s5, $0x0  }
0x1f: {  	s9 =	smul.u32 $0xF7A, s1;
	s8 =	simm.s32 @!p0 $0x1BF5;
	p2 =	por !p2, p0  }
0x20: {  	[sflag:s8] =	ssyncset.s32 @!p0 $0xFFFFF086;
	s6 =	sadd.s32 @!p0 s3, s7;
	s7 =	simm.s32 @!p0 $0x108  }
0x21: {  	s3 =	sadd.s32 s3, s9;
	s6 =	sadd.s32 @!p0 $0x88, s6;
	s7 =	simm.s32 @p2 $0x1082  }
0x22: {  	[simem:s7], [sflag:s8] =	dma.local @!p0 [hbm:s6], $0xF7A  }
0x23: {  	s9 =	sor.u32 $0xD0000000, s2;
	s6 =	simm.s32 $0x108;
	_ =	swait.ge @!p0 [sflag:s8], $0x0  }
0x24: {  	s3 =	sadd.s32 $0x88, s3;
	s6 =	simm.s32 @!p1 $0x1082;
	[sflag:s4] =	ssyncset.s32 $0xFFFFF086  }
0x25: {  	[simem:s6], [sflag:s4] =	dma.local [hbm:s3], $0xF7A  }
0x26: {  	[smem:$0x3F9F] =	sst s1;
	(tag) =	ssettag s2;
	_ =	strace s9  }
0x27: {  	s1 =	sld [smem:$0x3FAF]  }
0x28: {  	s2 =	sld [smem:$0x3FB0]  }
0x29: {  	s4 =	sld [smem:$0x3FB2]  }
0x2a: {  	p0 =	seq.s32 s5, $0x0;
	s5 =	sld [smem:$0x3FB3]  }
0x2b: {  	s6 =	sld [smem:$0x3FB4]  }
0x2c: {  	s7 =	sld [smem:$0x3FB5]  }
0x2d: {  	s3 =	simm.s32 $0x108;
	s8 =	sld [smem:$0x3FB6]  }
0x2e: {  	s3 =	simm.s32 @!p0 $0x1082;
	s9 =	sld [smem:$0x3FB7]  }
0x2f: {  	lr =	sadd.s32 s0, s3;
	s0 =	sld [smem:$0x3FAE]  }
0x30: {  	s3 =	sld [smem:$0x3FB1]  }
0x31: {  	[smem:$0x3FBA] =	sst s10  }
0x32: {  	s10 =	sld [smem:$0x3FB8];
	_ =	sdelay $0x3  }
0x33: {  	p0 =	seq.s32 s10, $0x1;
	s10 =	sld [smem:$0x3FBA];
	_ =	sdelay $0x3  }
0x34: {  	[smem:$0x3FBA] =	sst s10  }
0x35: {  	s10 =	sld [smem:$0x3FB9];
	_ =	sdelay $0x3  }
0x36: {  	p1 =	seq.s32 s10, $0x1;
	s10 =	sld [smem:$0x3FBA];
	_ =	sdelay $0x3  }
0x37: {  	[smem:$0x3FBA] =	sst s10  }
0x38: {  	s10 =	sld [smem:$0x3FBB]  }
0x39: {  	_ = 	snop;
	(pc) =	sbr.ind lr, $3  }
0x3a: {  	_ = 	snop  }
0x3b: {  	_ = 	snop  }
0x3c: {  	p2 =	seq.s32 s10, $0x1;
	s10 =	sld [smem:$0x3FBA]  }
0x3d: {  	_ =	shalt  }
0x3e: {  	_ =	shalt  }
0x3f: {  	_ =	shalt  }
0x40: {  	_ =	shalt  }
0x41: {  	_ =	shalt  }
0x42: {  	_ =	shalt  }
0x43: {  	_ =	shalt  }
0x44: {  	_ =	shalt  }
0x45: {  	_ =	shalt  }
0x46: {  	_ =	shalt  }
0x47: {  	_ =	shalt  }
0x48: {  	_ =	shalt  }
0x49: {  	_ =	shalt  }
0x4a: {  	_ =	shalt  }
0x4b: {  	_ =	shalt  }
0x4c: {  	_ =	shalt  }
0x4d: {  	_ =	shalt  }
0x4e: {  	_ =	shalt  }
0x4f: {  	_ =	shalt  }
0x50: {  	_ =	shalt  }
0x51: {  	_ =	shalt  }
0x52: {  	_ =	shalt  }
0x53: {  	_ =	shalt  }
0x54: {  	_ =	shalt  }
0x55: {  	_ =	shalt  }
0x56: {  	_ =	shalt  }
0x57: {  	_ =	shalt  }
0x58: {  	_ =	shalt  }
0x59: {  	_ =	shalt  }
0x5a: {  	_ =	shalt  }
0x5b: {  	_ =	shalt  }
0x5c: {  	_ =	shalt  }
0x5d: {  	_ =	shalt  }
0x5e: {  	_ =	shalt  }
0x5f: {  	_ =	shalt  }
0x60: {  	_ =	shalt  }
0x61: {  	_ =	shalt  }
0x62: {  	_ =	shalt  }
0x63: {  	_ =	shalt  }
0x64: {  	_ =	shalt  }
0x65: {  	_ =	shalt  }
0x66: {  	_ =	shalt  }
0x67: {  	_ =	shalt  }
0x68: {  	_ =	shalt  }
0x69: {  	_ =	shalt  }
0x6a: {  	_ =	shalt  }
0x6b: {  	_ =	shalt  }
0x6c: {  	_ =	shalt  }
0x6d: {  	_ =	shalt  }
0x6e: {  	_ =	shalt  }
0x6f: {  	_ =	shalt  }
0x70: {  	_ =	shalt  }
0x71: {  	_ =	shalt  }
0x72: {  	_ =	shalt  }
0x73: {  	_ =	shalt  }
0x74: {  	_ =	shalt  }
0x75: {  	_ =	shalt  }
0x76: {  	_ =	shalt  }
0x77: {  	_ =	shalt  }
0x78: {  	_ =	shalt  }
0x79: {  	_ =	shalt  }
0x7a: {  	_ =	shalt  }
0x7b: {  	_ =	shalt  }
0x7c: {  	_ =	shalt  }
0x7d: {  	_ =	shalt  }
0x7e: {  	_ =	shalt  }
0x7f: {  	_ =	shalt  }
0x80: {  	_ =	shalt  }
0x81: {  	_ =	shalt  }
0x82: {  	_ =	shalt  }
0x83: {  	_ =	shalt  }
0x84: {  	_ =	shalt  }
0x85: {  	_ =	shalt  }
0x86: {  	_ =	shalt  }
0x87: {  	_ =	shalt  }
.Lfunc_end0:
.L_simem_size_0:
called_computation.1_lowered:
.L_overlay_start_0:
0x88: {  	s2 =	sld [smem:$0x3FD9]  }
0x89: {  	s3 =	sld [smem:$0x3FFE];
	_ =	sdelay $0x1  }
0x8a: {  	s1 =	srdreg.scid  }
0x8b: {  	s0 =	sand.u32 $0x1, s1  }
0x8c: {  	s17 =	sshll.u32 s0, $0xA;
	s2 =	sadd.s32 s3, s2  }
0x8d: {  	s2 =	sadd.s32 s2, s17  }
0x8e: {  	[smem:$0x3FC6] =	sst s2  }
0x8f: {  	_ = 	snop  }
0x90: {  	s2 =	sld [smem:$0x3FD0];
	(tm) =	ssettm $0x1  }
0x91: {  	s18 =	sld [smem:$0x3FFB];
	_ =	sdelay $0x3  }
0x92: {  	_ =	strace s18  }
0x93: {  	s3 =	sld [smem:$0x3FFC];
	_ =	sdelay $0x3  }
0x94: {  	_ =	strace s3  }
0x95: {  	s3 =	sld [smem:$0x3FFD];
	_ =	sdelay $0x3  }
0x96: {  	_ =	strace s3  }
0x97: {  	_ =	strace $0x8FFFFFFF  }
0x98: {  	s19 =	sld [smem:$0x3FDB];
	_ =	sdelay $0x1  }
0x99: {  	s4 =	simm.s32 $_scs_section_size  }
0x9a: {  	s5 =	simm.s32 $_size__tile_overlayer_lowered;
	s6 =	simm.s32 $_tile_overlayer_lowered  }
0x9b: {  	s22 =	simm.s32 $0x1BFF;
	s21 =	sshll.u32 s6, $0x1;
	s3 =	sadd.s32 s4, s19  }
0x9c: {  	s7 =	simm.s32 $0x0;
	s20 =	sshll.u32 s5, $0x1;
	s5 =	sadd.s32 s21, s3  }
0x9d: {  	[timem:s7], [sflag:s22] =	dma.local [hbm:s5], s20  }
0x9e: {  	_ =	swait.ge [sflag:s22], s20  }
0x9f: {  	s4 =	ssub.s32 $0x0, s20;
	[sflag:s22] =	ssyncset.done $0x0  }
0xa0: {  	[sflag:s22] =	ssyncadd.s32 s4;
	_ =	sdelay $0x1  }
0xa1: {  	s23 =	simm.s32 $0x1B8B  }
0xa2: {  	_ =	swait.ge [sflag:s23], $0x1  }
0xa3: {  	[sflag:s23] =	ssyncset.done $0x0  }
0xa4: {  	s25 =	simm.s32 $0x1B8E;
	s24 =	sld [smem:$0x3FFE];
	[sflag:s23] =	ssyncadd.s32 $0xFFFFFFFF  }
0xa5: {  	s26 =	simm.s32 $execute0_lowered;
	[smem:$0x3FD2] =	sst s25  }
0xa6: {  	s5 =	sshll.u32 s26, $0x1;
	_ =	strace $0x80000046;
	[dreg:$0x1] =	wrdreg $0xFFFFFFFF  }
0xa7: {  	s28 =	simm.s32 $_size_execute0_lowered;
	s3 =	sadd.s32 s3, s5;
	[dreg:$0x0] =	wrdreg $0x0  }
0xa8: {  	s5 =	sshll.u32 s28, $0x1;
	[dreg:$0x2] =	wrdreg s3  }
0xa9: {  	[dreg:$0x3] =	wrdreg s5  }
0xaa: {  	[dreg:$0x4] =	wrdreg $0xC0  }
0xab: {  	_ =	task [dreg:s7], $0x5FFFF  }
0xac: {  	[dreg:$0x1] =	wrdreg $0xFFFFFFFF  }
0xad: {  	[dreg:$0x0] =	wrdreg $0x60  }
0xae: {  	[dreg:$0x2] =	wrdreg s24  }
0xaf: {  	[dreg:$0x3] =	wrdreg s2  }
0xb0: {  	[dreg:$0x4] =	wrdreg $0x9  }
0xb1: {  	_ =	task.clear_ibuf [dreg:s7], $0x5FFFF;
	_ =	strace $0x90000046  }
0xb2: {  	s29 =	simm.s32 $0x9;
	_ =	strace $0x80000048  }
0xb3: {  	_ =	swait.ge [sflag:s29], $0x1  }
0xb4: {  	[sflag:s29] =	ssyncadd.s32 $0xFFFFFFFF  }
0xb5: {  	_ =	strace $0x90000048  }
0xb6: {  	_ =	sfence  }
0xb7: {  	s30 =	sld [smem:$0x0];
	_ =	sdelay $0x2  }
0xb8: {  	s31 =	sshll.u32 s1, $0xD;
	s1 =	sshrl.u32 s1, $0x2  }
0xb9: {  	s3 =	sand.u32 $0x4000, s31;
	s1 =	sadd.s32 s1, s30  }
0xba: {  	s0 =	sor.u32 s3, s0;
	s1 =	sshll.u32 s1, $0x11  }
0xbb: {  	s0 =	sor.u32 s1, s0  }
0xbc: {  	s0 =	sadd.s32 $0x8F2B, s0  }
0xbd: {  	[sflag:s0] =	ssyncadd.remote.s32 $0x1  }
0xbe: {  	_ =	sfence.sel $0xFFFF  }
0xbf: {  	[dreg:$0x0] =	wrdreg $0xFFFFFFFF;
	(pc) =	sbr.abs _section_cstart, $3  }
0xc0: {  	[dreg:$0x1] =	wrdreg $0xFFFFFFFF  }
0xc1: {  	_ =	task.clear_ibuf [dreg:s7], $0x2FFFF;
	_ =	strace $0x9FFFFFFF  }
0xc2: {  	(tm) =	ssettm $0x7FFFFFFF  }
0xc3: {  	_ =	shalt  }
tec
execute0_lowered:
.L_overlay_start_1:
0x0: {  	(tag) =	ssettag $0x1  }
0x1: {  	s0 =	srdreg.scid;
	s1 =	rddreg [dreg:$0x0]  }
0x2: {  	s7 =	stileid.u32;
	s4 =	rddreg [dreg:$0x1];
	s15 =	simm.s32 $0x1  }
0x3: {  	s16 =	simm.s32 $0x80;
	s18 =	simm.s32 $0xA400;
	s29 =	simm.s32 $0x12400  }
0x4: {  	s30 =	simm.s32 $0x2;
	s28 =	simm.s32 $0x8;
	s31 =	simm.s32 $0x9  }
0x5: {  	s9 =	simm.s32 $0xE;
	s0 =	sand.u32 $0x1, s0;
	s2 =	sshll.u32 s7, $0x1  }
0x6: {  	s10 =	simm.s32 $0xF;
	s11 =	simm.s32 $0x10;
	s3 =	sor.u32 s0, s2  }
0x7: {  	s12 =	simm.s32 $0x11;
	s2 =	simm.s32 $0x0;
	s5 =	smul.u32 $0xC80, s3  }
0x8: {  	s19 =	ssub.s32 $0x2, s0;
	[smem:$0x7FF] =	sst s2;
	s6 =	smul.u32 $0x190000, s3  }
0x9: {  	s3 =	sadd.s32 $0xF42E00, s1;
	s8 =	sshrl.u32 s19, $0x1;
	s5 =	sadd.s32 s5, s1  }
0xa: {  	_ =	strace $0x80000047;
	s1 =	ssub.s32 s19, s8;
	s5 =	sadd.s32 $0xA00, s5  }
0xb: {  	s6 =	sshrl.u32 s6, $0x3;
	s1 =	smax.u32 s1, $0x1;
	[dreg:$0x3] =	wrdreg s5  }
0xc: {  	s7 =	smul.u32 $0x320000, s7;
	s20 =	sadd.s32 s4, s6;
	[dreg:$0xa] =	wrdreg s1  }
0xd: {  	s0 =	smul.u32 $0x190000, s0;
	s6 =	sadd.s32 $0x30800, s20;
	[dreg:$0xc] =	wrdreg s20  }
0xe: {  	s13 =	simm.s32 $0x0;
	s21 =	sadd.s32 $0x30C00, s20;
	[dreg:$0x4] =	wrdreg s6  }
0xf: {  	s0 =	sadd.s32 s0, s7;
	s22 =	sadd.s32 $0x31000, s20;
	[dreg:$0x5] =	wrdreg s21  }
0x10: {  	s7 =	simm.s32 $0xC;
	s23 =	sadd.s32 $0x31400, s20;
	[dreg:$0x6] =	wrdreg s22  }
0x11: {  	s0 =	sor.u32 $0x4000, s0;
	s24 =	sadd.s32 $0x31800, s20;
	[dreg:$0x7] =	wrdreg s23  }
0x12: {  	s19 =	simm.s32 $0x4;
	s25 =	sadd.s32 $0x31C00, s20;
	[dreg:$0x8] =	wrdreg s24  }
0x13: {  	s8 =	simm.s32 $0xD;
	s26 =	sadd.s32 $0x400, s20;
	[dreg:$0x9] =	wrdreg s25  }
0x14: {  	s0 =	sshrl.u32 s0, $0x3;
	s20 =	simm.s32 $0xC400;
	[dreg:$0xb] =	wrdreg s26  }
0x15: {  	s22 =	sadd.s32 s0, s4;
	s24 =	simm.s32 $0xE400;
	s26 =	simm.s32 $0x10400  }
0x16: {  	s0 =	simm.s32 $0x3;
	s21 =	simm.s32 $0x5;
	s23 =	simm.s32 $0x6  }
0x17: {  	s25 =	simm.s32 $0x7;
	s4 =	simm.s32 $0xA;
	s6 =	simm.s32 $0xB  }
.LBB2_1:
0x18: {  	s1 =	rddreg [dreg:$0x3]  }
0x19: {  	[tilespmem:s2], [sflag:$0x1] =	stream.linear.gather [hbm4b:s1+s2], $0x6400, $0x38;
	[tilespmem:$0x16400] =	vst v63  }
0x1a: {  	_ =	swait.ge [sflag:s15], $0x6400  }
0x1b: {  	[sflag:s15] =	ssyncset.done $0x0  }
0x1c: {  	s1 =	simm.s32 $0x6400;
	[sflag:s15] =	ssyncadd.s32 $0xFFFF9C00  }
0x1d: {  	[tilespmem:s1], [sflag:$0x2] =	stream.indirect.gather [hbm4b:s3+s16], $0x40, s2, s16, $0xb8;
	[tilespmem:$0x16400] =	vst v63  }
0x1e: {  	s14 =	simm.s32 $0x8400  }
0x1f: {  	[tilespmem:s14], [sflag:$0x3] =	stream.indirect.gather [hbm4b:s3+s16], $0x40, s16, s16, $0xb8;
	[tilespmem:$0x16400] =	vst v63  }
0x20: {  	s17 =	simm.s32 $0x100  }
0x21: {  	[tilespmem:s18], [sflag:$0x4] =	stream.indirect.gather [hbm4b:s3+s16], $0x40, s17, s16, $0xb8;
	[tilespmem:$0x16400] =	vst v63  }
0x22: {  	s18 =	simm.s32 $0x180  }
0x23: {  	[tilespmem:s20], [sflag:$0x5] =	stream.indirect.gather [hbm4b:s3+s16], $0x40, s18, s16, $0xb8;
	[tilespmem:$0x16400] =	vst v63  }
0x24: {  	s18 =	simm.s32 $0x200  }
0x25: {  	[tilespmem:s24], [sflag:$0x6] =	stream.indirect.gather [hbm4b:s3+s16], $0x40, s18, s16, $0xb8;
	[tilespmem:$0x16400] =	vst v63  }
0x26: {  	s20 =	simm.s32 $0x280  }
0x27: {  	[tilespmem:s26], [sflag:$0x7] =	stream.indirect.gather [hbm4b:s3+s16], $0x40, s20, s16, $0xb8;
	[tilespmem:$0x16400] =	vst v63  }
0x28: {  	s24 =	simm.s32 $0x300  }
0x29: {  	[tilespmem:s29], [sflag:$0x8] =	stream.indirect.gather [hbm4b:s3+s16], $0x40, s24, s16, $0xb8;
	[tilespmem:$0x16400] =	vst v63  }
0x2a: {  	_ =	swait.ge [sflag:s30], $0x2000  }
0x2b: {  	[sflag:s30] =	ssyncset.done $0x0  }
0x2c: {  	s26 =	rddreg [dreg:$0xc];
	[sflag:s30] =	ssyncadd.s32 $0xFFFFE000  }
0x2d: {  	[hbm4b:s26+s2] =	stream.linear.scatter [tilespmem:s1], [sflag:$0xA], $0x2000, $0x38;
	[tilespmem:$0x16400] =	vst v63  }
0x2e: {  	s5 =	simm.s32 $0x14400;
	s18 =	simm.s32 $0x380  }
0x2f: {  	[tilespmem:s5], [sflag:$0x9] =	stream.indirect.gather [hbm4b:s3+s16], $0x40, s18, s16, $0xb8;
	[tilespmem:$0x16400] =	vst v63  }
0x30: {  	_ =	swait.ge [sflag:s0], $0x2000  }
0x31: {  	s24 =	sand.u32 $0x7, s28;
	[sflag:s0] =	ssyncset.done $0x0  }
0x32: {  	s26 =	sadd.s32 $0xA, s24;
	s20 =	rddreg [dreg:$0xb];
	[sflag:s0] =	ssyncadd.s32 $0xFFFFE000  }
0x33: {  	[hbm4b:s20+s2] =	stream.linear.scatter [tilespmem:s14], [sflag:$0xB], $0x2000, $0x38;
	[tilespmem:$0x16400] =	vst v63  }
0x34: {  	s17 =	simm.s32 $0x400;
	s1 =	sshll.u32 s24, $0xD;
	_ =	swait.ge [sflag:s26], $0x2000  }
0x35: {  	s5 =	simm.s32 $0x2;
	s14 =	sadd.s32 $0x2, s24;
	[sflag:s26] =	ssyncset.done $0x0  }
0x36: {  	[sflag:s26] =	ssyncadd.s32 $0xFFFFE000;
	s26 =	sadd.s32 $0x6400, s1;
	s1 =	sand.u32 $0x7, s5  }
0x37: {  	[tilespmem:s26], [sflag:s14] =	stream.indirect.gather [hbm4b:s3+s16], $0x40, s17, s16, $0xb8;
	[tilespmem:$0x16400] =	vst v63  }
0x38: {  	s18 =	simm.s32 $0x9;
	s20 =	smov.u32 s22;
	s24 =	sadd.s32 $0x2, s1  }
0x39: {  	s5 =	sshll.u32 s1, $0xD;
	s26 =	sadd.s32 $0xA, s1;
	_ =	swait.ge [sflag:s24], $0x2000  }
0x3a: {  	s14 =	smov.u32 s22;
	s29 =	sadd.s32 $0x6400, s5;
	[sflag:s24] =	ssyncset.done $0x0  }
.LBB2_2:
0x3b: {  	[sflag:s24] =	ssyncadd.s32 $0xFFFFE000  }
0x3c: {  	s14 =	sadd.s32 $0x400, s14;
	s17 =	sadd.s32 $0x80, s17;
	s24 =	smov.u32 s18  }
0x3d: {  	[hbm4b:s20+s2] =	stream.linear.scatter [tilespmem:s29], [sflag:s26], $0x2000, $0x38;
	[tilespmem:$0x16400] =	vst v63  }
0x3e: {  	p0 =	sne.s32 s18, $0xC7;
	s18 =	sadd.s32 $0x1, s18;
	s26 =	sand.u32 $0x7, s24  }
0x3f: {  	s20 =	smov.u32 s14;
	s29 =	sadd.s32 $0xA, s26;
	s1 =	sshll.u32 s26, $0xD  }
0x40: {  	s24 =	sadd.s32 $0xFFFFFFFA, s24;
	_ =	swait.ge [sflag:s29], $0x2000  }
0x41: {  	s26 =	sadd.s32 $0x2, s26;
	s1 =	sadd.s32 $0x6400, s1;
	[sflag:s29] =	ssyncset.done $0x0  }
.Ltmp0:
0x42: {  	[sflag:s29] =	ssyncadd.s32 $0xFFFFE000;
	s29 =	sand.u32 $0x7, s24;
	(pc) =	sbr.rel @p0 .LBB2_2-.Ltmp0, $4  }
0x43: {  	[tilespmem:s1], [sflag:s26] =	stream.indirect.gather [hbm4b:s3+s16], $0x40, s17, s16, $0xb8;
	[tilespmem:$0x16400] =	vst v63  }
0x44: {  	s24 =	sadd.s32 $0x2, s29;
	s1 =	sshll.u32 s29, $0xD  }
0x45: {  	_ =	swait.ge [sflag:s24], $0x2000  }
0x46: {  	s26 =	sadd.s32 $0xA, s29;
	s29 =	sadd.s32 $0x6400, s1;
	[sflag:s24] =	ssyncset.done $0x0  }
0x47: {  	[sflag:s24] =	ssyncadd.s32 $0xFFFFE000  }
0x48: {  	[hbm4b:s20+s2] =	stream.linear.scatter [tilespmem:s29], [sflag:s26], $0x2000, $0x38;
	[tilespmem:$0x16400] =	vst v63  }
0x49: {  	_ =	swait.ge [sflag:s19], $0x2000  }
0x4a: {  	[sflag:s19] =	ssyncset.done $0x0  }
0x4b: {  	s18 =	simm.s32 $0xA400;
	s1 =	rddreg [dreg:$0x4];
	[sflag:s19] =	ssyncadd.s32 $0xFFFFE000  }
0x4c: {  	[hbm4b:s1+s2] =	stream.linear.scatter [tilespmem:s18], [sflag:$0xC], $0x2000, $0x38;
	[tilespmem:$0x16400] =	vst v63  }
0x4d: {  	_ =	swait.ge [sflag:s21], $0x2000  }
0x4e: {  	[sflag:s21] =	ssyncset.done $0x0  }
0x4f: {  	s20 =	simm.s32 $0xC400;
	s5 =	rddreg [dreg:$0x5];
	[sflag:s21] =	ssyncadd.s32 $0xFFFFE000  }
0x50: {  	[hbm4b:s5+s2] =	stream.linear.scatter [tilespmem:s20], [sflag:$0xD], $0x2000, $0x38;
	[tilespmem:$0x16400] =	vst v63  }
0x51: {  	_ =	swait.ge [sflag:s23], $0x2000  }
0x52: {  	[sflag:s23] =	ssyncset.done $0x0  }
0x53: {  	s24 =	simm.s32 $0xE400;
	s14 =	rddreg [dreg:$0x6];
	[sflag:s23] =	ssyncadd.s32 $0xFFFFE000  }
0x54: {  	[hbm4b:s14+s2] =	stream.linear.scatter [tilespmem:s24], [sflag:$0xE], $0x2000, $0x38;
	[tilespmem:$0x16400] =	vst v63  }
0x55: {  	_ =	swait.ge [sflag:s25], $0x2000  }
0x56: {  	[sflag:s25] =	ssyncset.done $0x0  }
0x57: {  	s26 =	simm.s32 $0x10400;
	s17 =	rddreg [dreg:$0x7];
	[sflag:s25] =	ssyncadd.s32 $0xFFFFE000  }
0x58: {  	[hbm4b:s17+s2] =	stream.linear.scatter [tilespmem:s26], [sflag:$0xF], $0x2000, $0x38;
	[tilespmem:$0x16400] =	vst v63  }
0x59: {  	_ =	swait.ge [sflag:s28], $0x2000  }
0x5a: {  	[sflag:s28] =	ssyncset.done $0x0  }
0x5b: {  	s29 =	simm.s32 $0x12400;
	s5 =	rddreg [dreg:$0x8];
	[sflag:s28] =	ssyncadd.s32 $0xFFFFE000  }
0x5c: {  	[hbm4b:s5+s2] =	stream.linear.scatter [tilespmem:s29], [sflag:$0x10], $0x2000, $0x38;
	[tilespmem:$0x16400] =	vst v63  }
0x5d: {  	_ =	swait.ge [sflag:s31], $0x2000  }
0x5e: {  	[sflag:s31] =	ssyncset.done $0x0  }
0x5f: {  	s5 =	simm.s32 $0x14400;
	s14 =	rddreg [dreg:$0x9];
	[sflag:s31] =	ssyncadd.s32 $0xFFFFE000  }
0x60: {  	[hbm4b:s14+s2] =	stream.linear.scatter [tilespmem:s5], [sflag:$0x11], $0x2000, $0x38;
	[tilespmem:$0x16400] =	vst v63  }
0x61: {  	_ =	swait.ge [sflag:s4], $0x2000  }
0x62: {  	[sflag:s4] =	ssyncset.done $0x0  }
0x63: {  	[sflag:s4] =	ssyncadd.s32 $0xFFFFE000  }
0x64: {  	_ =	swait.ge [sflag:s6], $0x2000  }
0x65: {  	[sflag:s6] =	ssyncset.done $0x0  }
0x66: {  	[sflag:s6] =	ssyncadd.s32 $0xFFFFE000  }
0x67: {  	_ =	swait.ge [sflag:s7], $0x2000  }
0x68: {  	[sflag:s7] =	ssyncset.done $0x0  }
0x69: {  	[sflag:s7] =	ssyncadd.s32 $0xFFFFE000  }
0x6a: {  	_ =	swait.ge [sflag:s8], $0x2000  }
0x6b: {  	[sflag:s8] =	ssyncset.done $0x0  }
0x6c: {  	[sflag:s8] =	ssyncadd.s32 $0xFFFFE000  }
0x6d: {  	_ =	swait.ge [sflag:s9], $0x2000  }
0x6e: {  	[sflag:s9] =	ssyncset.done $0x0  }
0x6f: {  	[sflag:s9] =	ssyncadd.s32 $0xFFFFE000  }
0x70: {  	_ =	swait.ge [sflag:s10], $0x2000  }
0x71: {  	[sflag:s10] =	ssyncset.done $0x0  }
0x72: {  	[sflag:s10] =	ssyncadd.s32 $0xFFFFE000  }
0x73: {  	_ =	swait.ge [sflag:s11], $0x2000  }
0x74: {  	[sflag:s11] =	ssyncset.done $0x0  }
0x75: {  	[sflag:s11] =	ssyncadd.s32 $0xFFFFE000  }
0x76: {  	_ =	swait.ge [sflag:s12], $0x2000  }
0x77: {  	s13 =	sadd.s32 $0x1, s13;
	s17 =	rddreg [dreg:$0xa]  }
0x78: {  	p0 =	sne.s32 s13, s17  }
.Ltmp1:
0x79: {  	_ = 	snop;
	(pc) =	sbr.rel @p0 .LBB2_1-.Ltmp1, $3  }
0x7a: {  	_ =	sdelay $0x1  }
0x7b: {  	[sflag:s12] =	ssyncset.done $0x0  }
0x7c: {  	[sflag:s12] =	ssyncadd.s32 $0xFFFFE000  }
0x7d: {  	_ =	sfence.sel $0x180000  }
0x7e: {  	[bflag:$0x0] =	sbarrier.arrive $0xFFFF  }
0x7f: {  	_ =	strace $0x90000047  }
0x80: {  	s0 =	stileid.u32;
	[bflag:$0x2] =	sbarrier.arrive $0xFFFF  }
0x81: {  	p0 =	sne.s32 s0, $0x0;
	s0 =	rddreg [dreg:$0x2]  }
0x82: {  	s0 =	sadd.s32 @!p0 $0x100000, s0  }
0x83: {  	[sflag:s0] =	ssyncadd.tile.s32 @!p0 $0x1;
	_ =	shalt  }
.Lfunc_end2:
_tile_overlayer_lowered:
.L_overlay_start_2:
0x84: {  	(tag) =	ssettag $0x2  }
0x85: {  	s0 =	rddreg [dreg:$0x0];
	s2 =	stileid.u32  }
0x86: {  	s1 =	rddreg [dreg:$0x1];
	p0 =	sne.s32 s2, $0x0  }
0x87: {  	s3 =	rddreg [dreg:$0x2];
	[bflag:$0x3] =	sbarrier.arrive $0xFFFF;
	s2 =	simm.s32 @!p0 $0x1C12  }
0x88: {  	[timem:s3], [sflag:s2] =	dma.local @!p0 [hbm:s0], s1  }
0x89: {  	s0 =	simm.s32 @!p0 $0x12  }
0x8a: {  	_ =	swait.ge @!p0 [sflag:s0], s1  }
0x8b: {  	s1 =	ssub.s32 @!p0 $0x0, s1;
	[sflag:s0] =	ssyncset.done @!p0 $0x0  }
0x8c: {  	[sflag:s0] =	ssyncadd.s32 @!p0 s1  }
0x8d: {  	[bflag:$0x3] =	sbarrier.arrive $0xFFFF  }
0x8e: {  	_ =	shalt  }

// kernel: sparse-core-data-format-call.cloned.1.call-start
scs
called_computation_lowered:
.L_overlay_start_0:
0x0: {  	s2 =	sld [smem:$0x3FD9]  }
0x1: {  	s3 =	sld [smem:$0x3FFE];
	_ =	sdelay $0x1  }
0x2: {  	s1 =	srdreg.scid  }
0x3: {  	s0 =	sand.u32 $0x1, s1  }
0x4: {  	s18 =	sshll.u32 s0, $0xA;
	s2 =	sadd.s32 s3, s2  }
0x5: {  	s2 =	sadd.s32 s2, s18  }
0x6: {  	[smem:$0x3FC6] =	sst s2  }
0x7: {  	_ = 	snop  }
0x8: {  	s2 =	sld [smem:$0x3FD0];
	(tm) =	ssettm $0x1  }
0x9: {  	s19 =	sld [smem:$0x3FFB];
	_ =	sdelay $0x3  }
0xa: {  	_ =	strace s19  }
0xb: {  	s3 =	sld [smem:$0x3FFC];
	_ =	sdelay $0x3  }
0xc: {  	_ =	strace s3  }
0xd: {  	s3 =	sld [smem:$0x3FFD];
	_ =	sdelay $0x3  }
0xe: {  	_ =	strace s3  }
0xf: {  	_ =	strace $0x8FFFFFFF  }
0x10: {  	s20 =	sld [smem:$0x3FDB];
	_ =	sdelay $0x1  }
0x11: {  	s4 =	simm.s32 $_scs_section_size  }
0x12: {  	s5 =	simm.s32 $_size__tile_overlayer_lowered;
	s6 =	simm.s32 $_tile_overlayer_lowered  }
0x13: {  	s23 =	simm.s32 $0x1BFF;
	s22 =	sshll.u32 s6, $0x1;
	s3 =	sadd.s32 s4, s20  }
0x14: {  	s7 =	simm.s32 $0x0;
	s21 =	sshll.u32 s5, $0x1;
	s5 =	sadd.s32 s22, s3  }
0x15: {  	[timem:s7], [sflag:s23] =	dma.local [hbm:s5], s21  }
0x16: {  	_ =	swait.ge [sflag:s23], s21  }
0x17: {  	s4 =	ssub.s32 $0x0, s21;
	[sflag:s23] =	ssyncset.done $0x0  }
0x18: {  	[sflag:s23] =	ssyncadd.s32 s4;
	_ =	sdelay $0x1  }
0x19: {  	s24 =	simm.s32 $0x1B8B  }
0x1a: {  	_ =	swait.ge [sflag:s24], $0x1  }
0x1b: {  	[sflag:s24] =	ssyncset.done $0x0  }
0x1c: {  	s26 =	simm.s32 $0x1B8E;
	s25 =	sld [smem:$0x3FFE];
	[sflag:s24] =	ssyncadd.s32 $0xFFFFFFFF  }
0x1d: {  	s27 =	simm.s32 $execute0_lowered;
	[smem:$0x3FD2] =	sst s26  }
0x1e: {  	s5 =	sshll.u32 s27, $0x1;
	_ =	strace $0x80000049;
	[dreg:$0x1] =	wrdreg $0xFFFFFFFF  }
0x1f: {  	s28 =	simm.s32 $_size_execute0_lowered;
	s3 =	sadd.s32 s3, s5;
	[dreg:$0x0] =	wrdreg $0x0  }
0x20: {  	s5 =	sshll.u32 s28, $0x1;
	[dreg:$0x2] =	wrdreg s3  }
0x21: {  	[dreg:$0x3] =	wrdreg s5  }
0x22: {  	[dreg:$0x4] =	wrdreg $0xC0  }
0x23: {  	_ =	task [dreg:s7], $0x5FFFF  }
0x24: {  	[dreg:$0x1] =	wrdreg $0xFFFFFFFF  }
0x25: {  	[dreg:$0x0] =	wrdreg $0x60  }
0x26: {  	[dreg:$0x2] =	wrdreg s25  }
0x27: {  	[dreg:$0x3] =	wrdreg s2  }
0x28: {  	[dreg:$0x4] =	wrdreg $0x9  }
0x29: {  	_ =	task.clear_ibuf [dreg:s7], $0x5FFFF;
	_ =	strace $0x90000049  }
0x2a: {  	s29 =	simm.s32 $0x9;
	_ =	strace $0x8000004B  }
0x2b: {  	_ =	swait.ge [sflag:s29], $0x1  }
0x2c: {  	[sflag:s29] =	ssyncadd.s32 $0xFFFFFFFF  }
0x2d: {  	_ =	strace $0x9000004B  }
0x2e: {  	_ =	sfence  }
0x2f: {  	s30 =	sld [smem:$0x0];
	_ =	sdelay $0x2  }
0x30: {  	s31 =	sshll.u32 s1, $0xD;
	s1 =	sshrl.u32 s1, $0x2  }
0x31: {  	s3 =	sand.u32 $0x4000, s31;
	s1 =	sadd.s32 s1, s30  }
0x32: {  	s0 =	sor.u32 s3, s0;
	s1 =	sshll.u32 s1, $0x11  }
0x33: {  	s0 =	sor.u32 s1, s0  }
0x34: {  	s0 =	sadd.s32 $0x8F2B, s0  }
0x35: {  	[sflag:s0] =	ssyncadd.remote.s32 $0x1  }
0x36: {  	_ =	sfence.sel $0xFFFF  }
0x37: {  	[dreg:$0x0] =	wrdreg $0xFFFFFFFF;
	(pc) =	sbr.abs _section_cstart, $3  }
0x38: {  	[dreg:$0x1] =	wrdreg $0xFFFFFFFF  }
0x39: {  	_ =	task.clear_ibuf [dreg:s7], $0x2FFFF;
	_ =	strace $0x9FFFFFFF  }
0x3a: {  	(tm) =	ssettm $0x7FFFFFFF  }
0x3b: {  	_ =	shalt  }
tec
execute0_lowered:
.L_overlay_start_1:
0x0: {  	(tag) =	ssettag $0x1  }
0x1: {  	s0 =	srdreg.scid  }
0x2: {  	s1 =	sshll.u32 s0, $0x4  }
0x3: {  	s0 =	stileid.u32;
	s1 =	sand.u32 $0x10, s1  }
0x4: {  	s1 =	sor.u32 s0, s1  }
0x5: {  	s6 =	rddreg [dreg:$0x0];
	s4 =	simm.s32 $0x1;
	s2 =	sshll.u32 s1, $0x7  }
0x6: {  	s7 =	simm.s32 $0x2;
	s12 =	simm.s32 $0x0;
	s1 =	ssub.s32 $0x4000, s2  }
0x7: {  	s8 =	simm.s32 $0x20000;
	s13 =	simm.s32 $0x0;
	s3 =	sand.u32 $0xF80, s1  }
0x8: {  	s9 =	simm.s32 $0x0;
	s5 =	sshrl.u32 s1, $0xC;
	p0 =	sne.s32 s3, $0x0  }
.Ltmp0:
0x9: {  	s1 =	rddreg [dreg:$0x2];
	s4 =	simm.s32 @!p0 $0x0;
	(pc) =	sbr.rel .LBB1_1-.Ltmp0, $4  }
0xa: {  	s11 =	simm.s32 $0x0;
	s3 =	rddreg [dreg:$0x1];
	s5 =	sadd.s32 s4, s5  }
0xb: {  	_ =	strace $0x8000004A;
	s4 =	simm.s32 $0x1;
	s5 =	smul.u32 $0x32, s5  }
0xc: {  	s6 =	sadd.s32 $0xA00, s6;
	s10 =	smov.u32 s2;
	[sflag:s4] =	ssyncpa.u1 $0x0  }
0xd: {  	p0 =	por $0x0, $0x0;
	[sflag:s7] =	ssyncpa.u1 $0x0;
	s7 =	sor.u32 $0x1, s5  }
.LBB1_4:
0xe: {  	s16 =	sshll.u32 s13, $0x3;
	s17 =	sand.u32 $0x78, s13  }
0xf: {  	s30 =	sand.u32 $0x1F800, s13;
	s12 =	sshll.u32 s12, $0x11;
	s16 =	sand.u32 $0x3C00, s16  }
0x10: {  	[tilespmem:s15+$0x810 ss:$0x81] =	vst.msk $0xffff, v2;
	s31 =	sand.u32 $0x7, s13;
	s16 =	sor.u32 s17, s16;
	s17 =	sadd.s32 s3, s30  }
0x11: {  	[tilespmem:s15+$0x1020 ss:$0x81] =	vst.msk $0xffff, v0;
	s13 =	sshll.u32 s31, $0x12;
	s12 =	sadd.s32 s12, s17;
	s16 =	sshrl.u32 s16, $0x3  }
0x12: {  	[tilespmem:s15+$0x0 ss:$0x81] =	vst.msk $0xffff, v1;
	s13 =	sor.u32 $0x400, s13;
	s12 =	sadd.s32 s16, s12  }
0x13: {  	[hbm4b:s12+s13] =	stream.strided.scatter [tilespmem:s14], [sflag:$0x2], $0x2000, s8, s13, $0x20;
	[tilespmem:$0x8080] =	vst v63  }
.LBB1_5:
0x14: {  	s14 =	sadd.s32 $0x1, s9  }
0x15: {  	s12 =	sadd.s32 $0x1000, s10;
	s16 =	smov.u32 s10;
	p2 =	sgt.s32 s14, $0x31  }
0x16: {  	s16 =	smov.u32 @p2 s12  }
0x17: {  	s14 =	simm.s32 @p2 $0x0;
	p2 =	sgt.s32 s16, $0x3FFF  }
0x18: {  	s16 =	smov.u32 @p2 s2;
	p2 =	sne.s32 s11, s7  }
.Ltmp1:
0x19: {  	p1 =	slt.u32 s11, $0x2;
	(pc) =	sbr.rel @!p2 .LBB1_6-.Ltmp1, $4  }
0x1a: {  	s15 =	simm.s32 @!p1 $0x2  }
0x1b: {  	s13 =	smov.u32 s10;
	p0 =	por !p0, !p0;
	_ =	swait.ge @!p1 [sflag:s15], $0x2000  }
0x1c: {  	s12 =	smov.u32 s9;
	[sflag:s15] =	ssyncset.done @!p1 $0x0;
	s9 =	smov.u32 s14  }
0x1d: {  	s11 =	sadd.s32 $0x1, s11;
	[sflag:s15] =	ssyncadd.s32 @!p1 $0xFFFFE000;
	s10 =	smov.u32 s16  }
.LBB1_1:
0x1e: {  	p1 =	sge.u32 s11, s5  }
0x1f: {  	s14 =	sand.u32 @!p1 $0x1FFFFFF, s9  }
0x20: {  	s15 =	smulhi.u32 @!p1 $0x4924925, s14;
	_ =	sdelay $0x1  }
0x21: {  	s15 =	smul.u32 @!p1 $0x38, s15  }
0x22: {  	s16 =	sxor.u32 @!p1 $0xFFFFFFFF, s11;
	s17 =	smul.u32 @!p1 $0x380, s10  }
0x23: {  	s31 =	sadd.s32 $0xFFFFFFFF, s11;
	s16 =	sshll.u32 @!p1 s16, $0xD;
	s14 =	ssub.s32 @!p1 s14, s15  }
0x24: {  	s15 =	sand.u32 @!p1 $0x2000, s16;
	s16 =	sadd.s32 @!p1 s6, s17;
	s14 =	sshll.u32 @!p1 s14, $0x4  }
0x25: {  	s17 =	simm.s32 @!p1 $0x1C00;
	s14 =	sadd.s32 @!p1 s14, s16;
	s16 =	simm.s32 @!p1 $0x40  }
0x26: {  	[tilespmem:s15], [sflag:$0x1] =	stream.strided.gather @!p1 [hbm4b:s14+s16], $0x2000, s17, s16, $0x38;
	[tilespmem:$0x8080] =	vst v63  }
0x27: {  	p1 =	sge.u32 s31, s5  }
.Ltmp2:
0x28: {  	_ = 	snop;
	(pc) =	sbr.rel @p1 .LBB1_5-.Ltmp2, $1  }
0x29: {  	_ =	sdelay $0x3  }
0x2a: {  	s14 =	simm.s32 $0x1  }
0x2b: {  	_ =	swait.ge [sflag:s4], $0x2000;
	s14 =	simm.s32 @!p0 $0x0  }
0x2c: {  	[sflag:s4] =	ssyncset.done $0x0;
	s15 =	sshll.u32 s14, $0xD  }
0x2d: {  	[sflag:s4] =	ssyncadd.s32 $0xFFFFE000;
	s18 =	sor.u32 $0x20, s15  }
0x2e: {  	s14 =	smul.u32 $0x8100, s14;
	v3 =	vld [tilespmem:s18+$0x10]  }
0x2f: {  	s30 =	sand.u32 $0x1, s11;
	v2 =	vld [tilespmem:s18+$0xFFFFFFF0]  }
0x30: {  	s15 =	smul.u32 $0x8100, s30;
	s14 =	sshrl.u32 s14, $0x2;
	v0 =	vld [tilespmem:s18+$0x0]  }
0x31: {  	v1 =	vld [tilespmem:s18+$0xFFFFFFE0];
	s16 =	sor.u32 $0x4000, s14  }
0x32: {  	s31 =	sshrl.u32 s15, $0x2;
	s15 =	sadd.s32 $0x0, s16  }
0x33: {  	s17 =	simm.s32 $0x4;
	s18 =	sadd.s32 $0x40, s18;
	s14 =	sor.u32 $0x4000, s31;
	[tilespmem:s15+$0x1830 ss:$0x81] =	vst.msk $0xffff, v3  }
.LBB1_3:
0x34: {  	v3 =	vld [tilespmem:s18+$0x10];
	p1 =	sne.s32 s17, $0x1FC;
	[tilespmem:s15+$0x810 ss:$0x81] =	vst.msk $0xffff, v2;
	s19 =	smov.u32 s17;
	s17 =	sadd.s32 $0x4, s17  }
.Ltmp3:
0x35: {  	v2 =	vld [tilespmem:s18+$0xFFFFFFF0];
	[tilespmem:s15+$0x1020 ss:$0x81] =	vst.msk $0xffff, v0;
	(pc) =	sbr.rel @p1 .LBB1_3-.Ltmp3, $4  }
0x36: {  	v0 =	vld [tilespmem:s18+$0x0];
	[tilespmem:s15+$0x0 ss:$0x81] =	vst.msk $0xffff, v1  }
0x37: {  	s15 =	sshra.s32 s19, $0x2;
	v1 =	vld [tilespmem:s18+$0xFFFFFFE0]  }
0x38: {  	s15 =	sadd.s32 s15, s16  }
0x39: {  	s18 =	sadd.s32 $0x40, s18;
	[tilespmem:s15+$0x1830 ss:$0x81] =	vst.msk $0xffff, v3  }
.Ltmp4:
0x3a: {  	_ = 	snop;
	(pc) =	sbr.rel .LBB1_4-.Ltmp4, $1  }
0x3b: {  	_ =	sdelay $0x3  }
.LBB1_6:
0x3c: {  	_ =	sfence.sel $0x180000  }
0x3d: {  	s2 =	simm.s32 $0x1;
	[bflag:$0x0] =	sbarrier.arrive $0xFFFF  }
0x3e: {  	s31 =	simm.s32 $0x2;
	[sflag:s2] =	ssyncpa.u1 $0x1  }
0x3f: {  	[sflag:s31] =	ssyncpa.u1 $0x1  }
0x40: {  	p0 =	sne.s32 s0, $0x0;
	_ =	strace $0x9000004A  }
0x41: {  	s0 =	sadd.s32 @!p0 $0x100000, s1;
	[bflag:$0x2] =	sbarrier.arrive $0xFFFF  }
0x42: {  	[sflag:s0] =	ssyncadd.tile.s32 @!p0 $0x1;
	_ =	shalt  }
.Lfunc_end1:
_tile_overlayer_lowered:
.L_overlay_start_2:
0x43: {  	(tag) =	ssettag $0x2  }
0x44: {  	s0 =	rddreg [dreg:$0x0];
	s2 =	stileid.u32  }
0x45: {  	s1 =	rddreg [dreg:$0x1];
	p0 =	sne.s32 s2, $0x0  }
0x46: {  	s3 =	rddreg [dreg:$0x2];
	[bflag:$0x3] =	sbarrier.arrive $0xFFFF;
	s2 =	simm.s32 @!p0 $0x1C01  }
0x47: {  	[timem:s3], [sflag:s2] =	dma.local @!p0 [hbm:s0], s1  }
0x48: {  	s0 =	simm.s32 @!p0 $0x1  }
0x49: {  	_ =	swait.ge @!p0 [sflag:s0], s1  }
0x4a: {  	s1 =	ssub.s32 @!p0 $0x0, s1;
	[sflag:s0] =	ssyncset.done @!p0 $0x0  }
0x4b: {  	[sflag:s0] =	ssyncadd.s32 @!p0 s1  }
0x4c: {  	[bflag:$0x3] =	sbarrier.arrive $0xFFFF  }
0x4d: {  	_ =	shalt  }

</sc_bundles>
